<compile_context>
chip_gen: v7x
topology: tpu7x:2x2x1
jax: 0.10.2.dev20260603
libtpu: 0.0.44.dev20260713+nightly
codegen_flags: <defaults>
</compile_context>

<pallas_src>
import functools

import jax
import jax.numpy as jnp
from jax import lax
from jax.experimental import pallas as pl
from jax.experimental.pallas import tpu as pltpu
from jax.experimental.pallas import tpu_sc as plsc

N = 10000
E = 320000
D = 128
DO = 128

NC = 2
NS = 16
L = 16

K = 128
NCH = E // K
BASECH = NCH // NS
HALF = BASECH // 2
AR = K * L // D
ROWS_PT = 640
ZCOPY = 80


def _scale_rows(rows, attr):
    @plsc.parallel_loop(0, K, 1, unroll=2)
    def _(k):
        a = attr[k // 8, pl.ds((k % 8) * L, L)]
        for j in range(D // L):
            rows[k, pl.ds(j * L, L)] = rows[k, pl.ds(j * L, L)] * a


def _sc_body(x_hbm, row_hbm, col_hbm, attr_hbm, mi_hbm, mo_hbm,
             src_a, src_b, dst_a, dst_b, attr_a, attr_b, rows_a, rows_b, acc,
             gsem_a, gsem_b, asem_a, asem_b, sisem_a, sisem_b,
             disem_a, disem_b, ssem_a, ssem_b):
    cid = lax.axis_index("c")
    sid = lax.axis_index("s")
    chbase = sid * BASECH + jnp.minimum(sid, 4)

    src = (src_a, src_b)
    dst = (dst_a, dst_b)
    attr = (attr_a, attr_b)
    rows = (rows_a, rows_b)
    gsem = (gsem_a, gsem_b)
    asem = (asem_a, asem_b)
    sisem = (sisem_a, sisem_b)
    disem = (disem_a, disem_b)
    ssem = (ssem_a, ssem_b)

    def attr_slice(g):
        return attr_hbm.at[pl.ds((chbase + g) * AR, AR), :]

    def issue_loads(g, s):
        @pl.when(cid == 0)
        def _():
            pltpu.async_copy(row_hbm.at[pl.ds((chbase + g) * K, K)], src[s],
                             sisem[s])
            pltpu.async_copy(col_hbm.at[pl.ds((chbase + g) * K, K)], dst[s],
                             disem[s])

        @pl.when(cid == 1)
        def _():
            pltpu.async_copy(col_hbm.at[pl.ds((chbase + g) * K, K)], src[s],
                             sisem[s])
            pltpu.async_copy(row_hbm.at[pl.ds((chbase + g) * K, K)], dst[s],
                             disem[s])
        pltpu.async_copy(attr_slice(g), attr[s], asem[s])
        pltpu.make_async_copy(row_hbm.at[pl.ds((chbase + g) * K, K)], src[s],
                              sisem[s]).wait()
        pltpu.async_copy(x_hbm.at[src[s]], rows[s], gsem[s])

    def phase(g, t, s):
        o = 1 - s
        @pl.when(t + s > 0)
        def _():
            pltpu.make_async_copy(rows[o], acc.at[dst[o]], ssem[o]).wait()
        if s == 0:
            issue_loads(2 * t + 1, o)
        else:
            @pl.when(t < HALF - 1)
            def _():
                issue_loads(2 * t + 2, o)

            @pl.when(jnp.logical_and(t == HALF - 1, sid < 4))
            def _():
                issue_loads(2 * t + 2, o)
        pltpu.make_async_copy(x_hbm.at[src[s]], rows[s], gsem[s]).wait()
        pltpu.make_async_copy(attr_slice(g), attr[s], asem[s]).wait()
        _scale_rows(rows[s], attr[s])
        pltpu.make_async_copy(col_hbm.at[pl.ds((chbase + g) * K, K)], dst[s],
                              disem[s]).wait()
        pltpu.async_copy(rows[s], acc.at[dst[s]], ssem[s], add=True)

    def zrow(r, _):
        for j in range(D // L):
            rows_a[r, pl.ds(j * L, L)] = jnp.zeros((L,), jnp.float32)
        return 0
    lax.fori_loop(0, K, zrow, 0)
    ncopies = jnp.where(sid == NS - 1, 5, 8)

    def zcopy(r, _):
        pltpu.sync_copy(rows_a.at[pl.ds(0, ZCOPY), :],
                        acc.at[pl.ds(sid * ROWS_PT + r * ZCOPY, ZCOPY), :])
        return 0
    lax.fori_loop(0, ncopies, zcopy, 0)
    plsc.subcore_barrier()

    issue_loads(0, 0)

    def pipe(t, _):
        phase(2 * t, t, 0)
        phase(2 * t + 1, t, 1)
        return 0
    lax.fori_loop(0, HALF, pipe, 0)
    pltpu.make_async_copy(rows_b, acc.at[dst_b], ssem_b).wait()

    @pl.when(sid < 4)
    def _():
        g = BASECH
        pltpu.make_async_copy(x_hbm.at[src_a], rows_a, gsem_a).wait()
        pltpu.make_async_copy(attr_slice(g), attr_a, asem_a).wait()
        _scale_rows(rows_a, attr_a)
        pltpu.make_async_copy(col_hbm.at[pl.ds((chbase + g) * K, K)], dst_a,
                              disem_a).wait()
        pltpu.async_copy(rows_a, acc.at[dst_a], ssem_a, add=True)
        pltpu.make_async_copy(rows_a, acc.at[dst_a], ssem_a).wait()
    plsc.subcore_barrier()

    def wcopy(r, _):
        off = sid * ROWS_PT + r * ZCOPY

        @pl.when(cid == 0)
        def _():
            pltpu.sync_copy(acc.at[pl.ds(off, ZCOPY), :],
                            mi_hbm.at[pl.ds(off, ZCOPY), :])

        @pl.when(cid == 1)
        def _():
            pltpu.sync_copy(acc.at[pl.ds(off, ZCOPY), :],
                            mo_hbm.at[pl.ds(off, ZCOPY), :])
        return 0
    lax.fori_loop(0, ncopies, wcopy, 0)


_sc_scatter = functools.partial(
    pl.kernel,
    out_type=(jax.ShapeDtypeStruct((N, D), jnp.float32),
              jax.ShapeDtypeStruct((N, D), jnp.float32)),
    mesh=plsc.VectorSubcoreMesh(core_axis_name="c", subcore_axis_name="s",
                                num_cores=NC, num_subcores=NS),
    scratch_types=[
        pltpu.VMEM((K,), jnp.int32),
        pltpu.VMEM((K,), jnp.int32),
        pltpu.VMEM((K,), jnp.int32),
        pltpu.VMEM((K,), jnp.int32),
        pltpu.VMEM((AR, D), jnp.float32),
        pltpu.VMEM((AR, D), jnp.float32),
        pltpu.VMEM((K, D), jnp.float32),
        pltpu.VMEM((K, D), jnp.float32),
        pltpu.VMEM_SHARED((N, D), jnp.float32),
        pltpu.SemaphoreType.DMA,
        pltpu.SemaphoreType.DMA,
        pltpu.SemaphoreType.DMA,
        pltpu.SemaphoreType.DMA,
        pltpu.SemaphoreType.DMA,
        pltpu.SemaphoreType.DMA,
        pltpu.SemaphoreType.DMA,
        pltpu.SemaphoreType.DMA,
        pltpu.SemaphoreType.DMA,
        pltpu.SemaphoreType.DMA,
    ],
)(_sc_body)


def _mlp_body(mi_ref, mo_ref, x_ref, W1_ref, b1_ref, W2_ref, b2_ref, o_ref):
    acc = jnp.dot(mi_ref[...], W1_ref[0:D, :],
                  preferred_element_type=jnp.float32)
    acc += jnp.dot(mo_ref[...], W1_ref[D:2 * D, :],
                   preferred_element_type=jnp.float32)
    acc += jnp.dot(x_ref[...], W1_ref[2 * D:3 * D, :],
                   preferred_element_type=jnp.float32)
    h = jnp.tanh(acc + b1_ref[...])
    o_ref[...] = jnp.tanh(
        jnp.dot(h, W2_ref[...], preferred_element_type=jnp.float32)
        + b2_ref[...])


_BLK = 2000


def _mlp(mi, mo, x, W1, b1, W2, b2):
    grid = (N // _BLK,)
    return pl.pallas_call(
        _mlp_body,
        grid=grid,
        in_specs=[
            pl.BlockSpec((_BLK, D), lambda i: (i, 0)),
            pl.BlockSpec((_BLK, D), lambda i: (i, 0)),
            pl.BlockSpec((_BLK, D), lambda i: (i, 0)),
            pl.BlockSpec((3 * D, DO), lambda i: (0, 0)),
            pl.BlockSpec((1, DO), lambda i: (0, 0)),
            pl.BlockSpec((DO, DO), lambda i: (0, 0)),
            pl.BlockSpec((1, DO), lambda i: (0, 0)),
        ],
        out_specs=pl.BlockSpec((_BLK, DO), lambda i: (i, 0)),
        out_shape=jax.ShapeDtypeStruct((N, DO), jnp.float32),
    )(mi, mo, x, W1, b1, W2, b2)


@jax.jit
def kernel(x, edge_index, edge_attr, W1, b1, W2, b2):
    row = edge_index[0]
    col = edge_index[1]
    attr16 = jnp.broadcast_to(edge_attr, (E, L)).reshape(E * L // D, D)
    mi, mo = _sc_scatter(x, row, col, attr16)
    return _mlp(mi, mo, x, W1, b1.reshape(1, DO), W2, b2.reshape(1, DO))

# --- scband reference (transcript-rebuilt; emitter-appended) ---
"""Pipeline reference for scband-node-network-g-67937792688143 (READ-ONLY COPY).

The authoritative reference and input builder live on the scoring server;
editing this copy changes nothing except your own understanding.
"""

import jax, jax.numpy as jnp
import numpy as np

N = 10000
E = 320000
D = 128
DO = 128


def setup_inputs(seed: int = 0) -> dict:
    key = jax.random.key(seed)
    k1, k2, k3, k4, k5, k6, k7 = jax.random.split(key, 7)
    x = jax.random.normal(k1, (N, D), dtype=jnp.float32)
    edge_index = jax.random.randint(k2, (2, E), 0, N, dtype=jnp.int32)
    edge_attr = jax.random.uniform(k3, (E, 1), dtype=jnp.float32)
    # nodec params: Linear(3D -> DO), Tanh, Linear(DO -> DO), Tanh
    W1 = jax.random.normal(k4, (3 * D, DO), dtype=jnp.float32) * 0.05
    b1 = jnp.zeros((DO,), dtype=jnp.float32)
    W2 = jax.random.normal(k5, (DO, DO), dtype=jnp.float32) * 0.05
    b2 = jnp.zeros((DO,), dtype=jnp.float32)
    return {"x": x, "edge_index": edge_index, "edge_attr": edge_attr,
            "W1": W1, "b1": b1, "W2": W2, "b2": b2}


def reference(x, edge_index, edge_attr, W1, b1, W2, b2):
    row = edge_index[0]
    col = edge_index[1]
    e = jax.lax.stop_gradient(edge_attr)
    bi = x[col] * e               # gather dst features, scale by edge attr
    bo = x[row] * e               # gather src features, scale by edge attr
    mi = jnp.zeros_like(x).at[col].add(bo)   # scatter-add to dst
    mo = jnp.zeros_like(x).at[row].add(bi)   # scatter-add to src
    M = jnp.concatenate([mi, mo, x], axis=-1)
    M = jax.lax.stop_gradient(M)  # original code detaches M before nodec
    h = jnp.tanh(M @ W1 + b1)
    out = jnp.tanh(h @ W2 + b2)
    return out

if __name__ == "__main__":
    import jax
    _d = setup_inputs()
    print(jax.jit(kernel)(*tuple(_d.values())))

</pallas_src>

<mosaic_0001>
#map = affine_map<(d0, d1) -> (0, 0)>
#map1 = affine_map<(d0, d1) -> (0)>
module attributes {stable_mosaic.version = 14 : i64} {
  func.func @_sc_body(%arg0: i32, %arg1: i32, %arg2: memref<10000x128xf32, #tpu.memory_space<hbm>>, %arg3: memref<320000xi32, #tpu.memory_space<hbm>>, %arg4: memref<320000xi32, #tpu.memory_space<hbm>>, %arg5: memref<40000x128xf32, #tpu.memory_space<hbm>>, %arg6: memref<10000x128xf32, #tpu.memory_space<hbm>>, %arg7: memref<10000x128xf32, #tpu.memory_space<hbm>>, %arg8: memref<128xi32, #tpu.memory_space<vmem>>, %arg9: memref<128xi32, #tpu.memory_space<vmem>>, %arg10: memref<128xi32, #tpu.memory_space<vmem>>, %arg11: memref<128xi32, #tpu.memory_space<vmem>>, %arg12: memref<16x128xf32, #tpu.memory_space<vmem>>, %arg13: memref<16x128xf32, #tpu.memory_space<vmem>>, %arg14: memref<128x128xf32, #tpu.memory_space<vmem>>, %arg15: memref<128x128xf32, #tpu.memory_space<vmem>>, %arg16: memref<10000x128xf32, #tpu.memory_space<vmem_shared>>, %arg17: memref<!tpu.dma_semaphore, #tpu.memory_space<semaphore_mem>>, %arg18: memref<!tpu.dma_semaphore, #tpu.memory_space<semaphore_mem>>, %arg19: memref<!tpu.dma_semaphore, #tpu.memory_space<semaphore_mem>>, %arg20: memref<!tpu.dma_semaphore, #tpu.memory_space<semaphore_mem>>, %arg21: memref<!tpu.dma_semaphore, #tpu.memory_space<semaphore_mem>>, %arg22: memref<!tpu.dma_semaphore, #tpu.memory_space<semaphore_mem>>, %arg23: memref<!tpu.dma_semaphore, #tpu.memory_space<semaphore_mem>>, %arg24: memref<!tpu.dma_semaphore, #tpu.memory_space<semaphore_mem>>, %arg25: memref<!tpu.dma_semaphore, #tpu.memory_space<semaphore_mem>>, %arg26: memref<!tpu.dma_semaphore, #tpu.memory_space<semaphore_mem>>) attributes {dimension_semantics = [#tpu.dimension_semantics<core_parallel>, #tpu.dimension_semantics<subcore_parallel>], iteration_bounds = array<i64: 2, 16>, scalar_prefetch = 0 : i64, scratch_operands = 19 : i64, tpu.core_type = #tpu.core_type<sc_vector_subcore>, window_params = [{transform_indices = #map}, {transform_indices = #map1}, {transform_indices = #map1}, {transform_indices = #map}, {transform_indices = #map}, {transform_indices = #map}]} {
    %mul3A = arith.constant 156 : i32
    %mul3A_0 = arith.muli %arg1, %mul3A : i32
    %min3A = arith.constant 4 : i32
    %min3A_1 = arith.minsi %arg1, %min3A : i32
    %add3A = arith.addi %mul3A_0, %min3A_1 : i32
    %scan3A = arith.constant 0 : i32
    %scan3A_2 = arith.constant 0 : i32
    %scan3A_3 = arith.constant 128 : i32
    %scan3A_4 = arith.addi %scan3A_2, %scan3A_3 : i32
    %scan3A_5 = arith.constant 1 : i32
    %scan3A_6 = scf.for %scan3A_71 = %scan3A_2 to %scan3A_4 step %scan3A_5 iter_args(%scan3A_72 = %scan3A) -> (i32)  : i32 {
      %broadcast_in_dim3A = arith.constant 0.000000e+00 : f32
      %broadcast_in_dim3A_73 = vector.broadcast %broadcast_in_dim3A : f32 to vector<16xf32>
      %swap3A = arith.index_cast %scan3A_71 : i32 to index
      %swap3A_74 = arith.constant 0 : index
      %swap3A_75 = tpu.vector_load %arg14[%swap3A, %swap3A_74] {strides = array<i32>} : memref<128x128xf32, #tpu.memory_space<vmem>>, vector<1x16xf32>,
      %swap3A_76 = vector.shape_cast %swap3A_75 : vector<1x16xf32> to vector<16xf32>
      %swap3A_77 = vector.shape_cast %broadcast_in_dim3A_73 : vector<16xf32> to vector<1x16xf32>
      tpu.vector_store %arg14[%swap3A, %swap3A_74], %swap3A_77 {strides = array<i32>} : memref<128x128xf32, #tpu.memory_space<vmem>>, vector<1x16xf32>,
      %broadcast_in_dim3A_78 = arith.constant 0.000000e+00 : f32
      %broadcast_in_dim3A_79 = vector.broadcast %broadcast_in_dim3A_78 : f32 to vector<16xf32>
      %swap3A_80 = arith.index_cast %scan3A_71 : i32 to index
      %swap3A_81 = arith.constant 16 : index
      %swap3A_82 = tpu.vector_load %arg14[%swap3A_80, %swap3A_81] {strides = array<i32>} : memref<128x128xf32, #tpu.memory_space<vmem>>, vector<1x16xf32>,
      %swap3A_83 = vector.shape_cast %swap3A_82 : vector<1x16xf32> to vector<16xf32>
      %swap3A_84 = vector.shape_cast %broadcast_in_dim3A_79 : vector<16xf32> to vector<1x16xf32>
      tpu.vector_store %arg14[%swap3A_80, %swap3A_81], %swap3A_84 {strides = array<i32>} : memref<128x128xf32, #tpu.memory_space<vmem>>, vector<1x16xf32>,
      %broadcast_in_dim3A_85 = arith.constant 0.000000e+00 : f32
      %broadcast_in_dim3A_86 = vector.broadcast %broadcast_in_dim3A_85 : f32 to vector<16xf32>
      %swap3A_87 = arith.index_cast %scan3A_71 : i32 to index
      %swap3A_88 = arith.constant 32 : index
      %swap3A_89 = tpu.vector_load %arg14[%swap3A_87, %swap3A_88] {strides = array<i32>} : memref<128x128xf32, #tpu.memory_space<vmem>>, vector<1x16xf32>,
      %swap3A_90 = vector.shape_cast %swap3A_89 : vector<1x16xf32> to vector<16xf32>
      %swap3A_91 = vector.shape_cast %broadcast_in_dim3A_86 : vector<16xf32> to vector<1x16xf32>
      tpu.vector_store %arg14[%swap3A_87, %swap3A_88], %swap3A_91 {strides = array<i32>} : memref<128x128xf32, #tpu.memory_space<vmem>>, vector<1x16xf32>,
      %broadcast_in_dim3A_92 = arith.constant 0.000000e+00 : f32
      %broadcast_in_dim3A_93 = vector.broadcast %broadcast_in_dim3A_92 : f32 to vector<16xf32>
      %swap3A_94 = arith.index_cast %scan3A_71 : i32 to index
      %swap3A_95 = arith.constant 48 : index
      %swap3A_96 = tpu.vector_load %arg14[%swap3A_94, %swap3A_95] {strides = array<i32>} : memref<128x128xf32, #tpu.memory_space<vmem>>, vector<1x16xf32>,
      %swap3A_97 = vector.shape_cast %swap3A_96 : vector<1x16xf32> to vector<16xf32>
      %swap3A_98 = vector.shape_cast %broadcast_in_dim3A_93 : vector<16xf32> to vector<1x16xf32>
      tpu.vector_store %arg14[%swap3A_94, %swap3A_95], %swap3A_98 {strides = array<i32>} : memref<128x128xf32, #tpu.memory_space<vmem>>, vector<1x16xf32>,
      %broadcast_in_dim3A_99 = arith.constant 0.000000e+00 : f32
      %broadcast_in_dim3A_100 = vector.broadcast %broadcast_in_dim3A_99 : f32 to vector<16xf32>
      %swap3A_101 = arith.index_cast %scan3A_71 : i32 to index
      %swap3A_102 = arith.constant 64 : index
      %swap3A_103 = tpu.vector_load %arg14[%swap3A_101, %swap3A_102] {strides = array<i32>} : memref<128x128xf32, #tpu.memory_space<vmem>>, vector<1x16xf32>,
      %swap3A_104 = vector.shape_cast %swap3A_103 : vector<1x16xf32> to vector<16xf32>
      %swap3A_105 = vector.shape_cast %broadcast_in_dim3A_100 : vector<16xf32> to vector<1x16xf32>
      tpu.vector_store %arg14[%swap3A_101, %swap3A_102], %swap3A_105 {strides = array<i32>} : memref<128x128xf32, #tpu.memory_space<vmem>>, vector<1x16xf32>,
      %broadcast_in_dim3A_106 = arith.constant 0.000000e+00 : f32
      %broadcast_in_dim3A_107 = vector.broadcast %broadcast_in_dim3A_106 : f32 to vector<16xf32>
      %swap3A_108 = arith.index_cast %scan3A_71 : i32 to index
      %swap3A_109 = arith.constant 80 : index
      %swap3A_110 = tpu.vector_load %arg14[%swap3A_108, %swap3A_109] {strides = array<i32>} : memref<128x128xf32, #tpu.memory_space<vmem>>, vector<1x16xf32>,
      %swap3A_111 = vector.shape_cast %swap3A_110 : vector<1x16xf32> to vector<16xf32>
      %swap3A_112 = vector.shape_cast %broadcast_in_dim3A_107 : vector<16xf32> to vector<1x16xf32>
      tpu.vector_store %arg14[%swap3A_108, %swap3A_109], %swap3A_112 {strides = array<i32>} : memref<128x128xf32, #tpu.memory_space<vmem>>, vector<1x16xf32>,
      %broadcast_in_dim3A_113 = arith.constant 0.000000e+00 : f32
      %broadcast_in_dim3A_114 = vector.broadcast %broadcast_in_dim3A_113 : f32 to vector<16xf32>
      %swap3A_115 = arith.index_cast %scan3A_71 : i32 to index
      %swap3A_116 = arith.constant 96 : index
      %swap3A_117 = tpu.vector_load %arg14[%swap3A_115, %swap3A_116] {strides = array<i32>} : memref<128x128xf32, #tpu.memory_space<vmem>>, vector<1x16xf32>,
      %swap3A_118 = vector.shape_cast %swap3A_117 : vector<1x16xf32> to vector<16xf32>
      %swap3A_119 = vector.shape_cast %broadcast_in_dim3A_114 : vector<16xf32> to vector<1x16xf32>
      tpu.vector_store %arg14[%swap3A_115, %swap3A_116], %swap3A_119 {strides = array<i32>} : memref<128x128xf32, #tpu.memory_space<vmem>>, vector<1x16xf32>,
      %broadcast_in_dim3A_120 = arith.constant 0.000000e+00 : f32
      %broadcast_in_dim3A_121 = vector.broadcast %broadcast_in_dim3A_120 : f32 to vector<16xf32>
      %swap3A_122 = arith.index_cast %scan3A_71 : i32 to index
      %swap3A_123 = arith.constant 112 : index
      %swap3A_124 = tpu.vector_load %arg14[%swap3A_122, %swap3A_123] {strides = array<i32>} : memref<128x128xf32, #tpu.memory_space<vmem>>, vector<1x16xf32>,
      %swap3A_125 = vector.shape_cast %swap3A_124 : vector<1x16xf32> to vector<16xf32>
      %swap3A_126 = vector.shape_cast %broadcast_in_dim3A_121 : vector<16xf32> to vector<1x16xf32>
      tpu.vector_store %arg14[%swap3A_122, %swap3A_123], %swap3A_126 {strides = array<i32>} : memref<128x128xf32, #tpu.memory_space<vmem>>, vector<1x16xf32>,
      %scan3A_127 = arith.constant 0 : i32
      scf.yield %scan3A_127 : i32
    }
    %scan3A_7 = arith.constant 128 : i32
    %eq3A = arith.constant 15 : i32
    %eq3A_8 = arith.cmpi eq, %arg1, %eq3A : i32
    %jit3A = arith.constant 5 : i32
    %jit3A_9 = arith.constant 8 : i32
    %select_n3A = arith.select %eq3A_8, %jit3A, %jit3A_9 : i32
    %while3A = arith.constant 0 : i32
    %while3A_10 = arith.constant 0 : i32
    %while3A_11 = arith.subi %select_n3A, %while3A : i32
    %while3A_12 = arith.addi %while3A, %while3A_11 : i32
    %while3A_13 = arith.constant 1 : i32
    %while3A_14 = arith.divsi %while3A_11, %while3A_13 : i32
    %while3A_15 = arith.muli %while3A_14, %while3A_13 : i32
    %while3A_16 = arith.addi %while3A, %while3A_15 : i32
    %while3A_17 = arith.constant 1 : i32
    %while3A_18 = scf.for %while3A_71 = %while3A to %while3A_16 step %while3A_17 iter_args(%while3A_72 = %while3A_10) -> (i32)  : i32 {
      %mul3A_73 = arith.constant 640 : i32
      %mul3A_74 = arith.muli %arg1, %mul3A_73 : i32
      %mul3A_75 = arith.constant 80 : i32
      %mul3A_76 = arith.muli %while3A_71, %mul3A_75 : i32
      %add3A_77 = arith.addi %mul3A_74, %mul3A_76 : i32
      "tpu.region"() ({
        %run_scoped3A = tpu.sem_alloc : memref<!tpu.dma_semaphore, #tpu.memory_space<semaphore_mem>>
        %dma_start3A_79 = arith.constant 0 : i32
        %dma_start3A_80 = arith.constant 0 : i32
        %dma_start3A_81 = tpu.memref_slice %arg14[%dma_start3A_79, %dma_start3A_80] : memref<128x128xf32, #tpu.memory_space<vmem>> -> memref<80x128xf32, #tpu.memory_space<vmem>>
        %dma_start3A_82 = arith.constant 0 : i32
        %dma_start3A_83 = tpu.memref_slice %arg16[%add3A_77, %dma_start3A_82] : memref<10000x128xf32, #tpu.memory_space<vmem_shared>> -> memref<80x128xf32, #tpu.memory_space<vmem_shared>>
        %dma_start3A_84 = arith.constant 0 : i32
        %dma_start3A_85 = tpu.memref_slice %arg16[%add3A_77, %dma_start3A_84] : memref<10000x128xf32, #tpu.memory_space<vmem_shared>> -> memref<80x128xf32, #tpu.memory_space<vmem_shared>>
        %dma_start3A_86 = arith.constant 0 : i32
        %dma_start3A_87 = arith.constant 0 : i32
        %dma_start3A_88 = tpu.memref_slice %arg14[%dma_start3A_86, %dma_start3A_87] : memref<128x128xf32, #tpu.memory_space<vmem>> -> memref<80x128xf32, #tpu.memory_space<vmem>>
        tpu.enqueue_dma source(%dma_start3A_88 : memref<80x128xf32, #tpu.memory_space<vmem>>) target(%dma_start3A_85 : memref<80x128xf32, #tpu.memory_space<vmem_shared>>) target_semaphore(%run_scoped3A : memref<!tpu.dma_semaphore, #tpu.memory_space<semaphore_mem>>)
        %dma_wait3A_89 = arith.constant 0 : i32
        %dma_wait3A_90 = arith.constant 0 : i32
        %dma_wait3A_91 = tpu.memref_slice %arg14[%dma_wait3A_89, %dma_wait3A_90] : memref<128x128xf32, #tpu.memory_space<vmem>> -> memref<80x128xf32, #tpu.memory_space<vmem>>
        %dma_wait3A_92 = arith.constant 0 : i32
        %dma_wait3A_93 = tpu.memref_slice %arg16[%add3A_77, %dma_wait3A_92] : memref<10000x128xf32, #tpu.memory_space<vmem_shared>> -> memref<80x128xf32, #tpu.memory_space<vmem_shared>>
        %dma_wait3A_94 = arith.constant 0 : i32
        %dma_wait3A_95 = tpu.memref_slice %arg16[%add3A_77, %dma_wait3A_94] : memref<10000x128xf32, #tpu.memory_space<vmem_shared>> -> memref<80x128xf32, #tpu.memory_space<vmem_shared>>
        %dma_wait3A_96 = arith.constant 0 : i32
        %dma_wait3A_97 = arith.constant 0 : i32
        %dma_wait3A_98 = tpu.memref_slice %arg14[%dma_wait3A_96, %dma_wait3A_97] : memref<128x128xf32, #tpu.memory_space<vmem>> -> memref<80x128xf32, #tpu.memory_space<vmem>>
        tpu.wait_dma2 semaphore(%run_scoped3A : memref<!tpu.dma_semaphore, #tpu.memory_space<semaphore_mem>>) src(%dma_wait3A_98 : memref<80x128xf32, #tpu.memory_space<vmem>>) dst(%dma_wait3A_95 : memref<80x128xf32, #tpu.memory_space<vmem_shared>>)
        tpu.yield
      }) : () -> ()
      %while3A_78 = arith.constant 0 : i32
      scf.yield %while3A_78 : i32
    }
    %while3A_19 = arith.constant 1 : i32
    %while3A_20 = scf.for %while3A_71 = %while3A_16 to %while3A_12 step %while3A_19 iter_args(%while3A_72 = %while3A_18) -> (i32)  : i32 {
      %mul3A_73 = arith.constant 640 : i32
      %mul3A_74 = arith.muli %arg1, %mul3A_73 : i32
      %mul3A_75 = arith.constant 80 : i32
      %mul3A_76 = arith.muli %while3A_71, %mul3A_75 : i32
      %add3A_77 = arith.addi %mul3A_74, %mul3A_76 : i32
      "tpu.region"() ({
        %run_scoped3A = tpu.sem_alloc : memref<!tpu.dma_semaphore, #tpu.memory_space<semaphore_mem>>
        %dma_start3A_79 = arith.constant 0 : i32
        %dma_start3A_80 = arith.constant 0 : i32
        %dma_start3A_81 = tpu.memref_slice %arg14[%dma_start3A_79, %dma_start3A_80] : memref<128x128xf32, #tpu.memory_space<vmem>> -> memref<80x128xf32, #tpu.memory_space<vmem>>
        %dma_start3A_82 = arith.constant 0 : i32
        %dma_start3A_83 = tpu.memref_slice %arg16[%add3A_77, %dma_start3A_82] : memref<10000x128xf32, #tpu.memory_space<vmem_shared>> -> memref<80x128xf32, #tpu.memory_space<vmem_shared>>
        %dma_start3A_84 = arith.constant 0 : i32
        %dma_start3A_85 = tpu.memref_slice %arg16[%add3A_77, %dma_start3A_84] : memref<10000x128xf32, #tpu.memory_space<vmem_shared>> -> memref<80x128xf32, #tpu.memory_space<vmem_shared>>
        %dma_start3A_86 = arith.constant 0 : i32
        %dma_start3A_87 = arith.constant 0 : i32
        %dma_start3A_88 = tpu.memref_slice %arg14[%dma_start3A_86, %dma_start3A_87] : memref<128x128xf32, #tpu.memory_space<vmem>> -> memref<80x128xf32, #tpu.memory_space<vmem>>
        tpu.enqueue_dma source(%dma_start3A_88 : memref<80x128xf32, #tpu.memory_space<vmem>>) target(%dma_start3A_85 : memref<80x128xf32, #tpu.memory_space<vmem_shared>>) target_semaphore(%run_scoped3A : memref<!tpu.dma_semaphore, #tpu.memory_space<semaphore_mem>>)
        %dma_wait3A_89 = arith.constant 0 : i32
        %dma_wait3A_90 = arith.constant 0 : i32
        %dma_wait3A_91 = tpu.memref_slice %arg14[%dma_wait3A_89, %dma_wait3A_90] : memref<128x128xf32, #tpu.memory_space<vmem>> -> memref<80x128xf32, #tpu.memory_space<vmem>>
        %dma_wait3A_92 = arith.constant 0 : i32
        %dma_wait3A_93 = tpu.memref_slice %arg16[%add3A_77, %dma_wait3A_92] : memref<10000x128xf32, #tpu.memory_space<vmem_shared>> -> memref<80x128xf32, #tpu.memory_space<vmem_shared>>
        %dma_wait3A_94 = arith.constant 0 : i32
        %dma_wait3A_95 = tpu.memref_slice %arg16[%add3A_77, %dma_wait3A_94] : memref<10000x128xf32, #tpu.memory_space<vmem_shared>> -> memref<80x128xf32, #tpu.memory_space<vmem_shared>>
        %dma_wait3A_96 = arith.constant 0 : i32
        %dma_wait3A_97 = arith.constant 0 : i32
        %dma_wait3A_98 = tpu.memref_slice %arg14[%dma_wait3A_96, %dma_wait3A_97] : memref<128x128xf32, #tpu.memory_space<vmem>> -> memref<80x128xf32, #tpu.memory_space<vmem>>
        tpu.wait_dma2 semaphore(%run_scoped3A : memref<!tpu.dma_semaphore, #tpu.memory_space<semaphore_mem>>) src(%dma_wait3A_98 : memref<80x128xf32, #tpu.memory_space<vmem>>) dst(%dma_wait3A_95 : memref<80x128xf32, #tpu.memory_space<vmem_shared>>)
        tpu.yield
      }) : () -> ()
      %while3A_78 = arith.constant 0 : i32
      scf.yield %while3A_78 : i32
    }
    %barrier3A = arith.constant 0 : index
    tpu.barrier barrier_id(%barrier3A)
    %eq3A_21 = arith.constant 0 : i32
    %eq3A_22 = arith.cmpi eq, %arg0, %eq3A_21 : i32
    %convert_element_type3A = arith.extui %eq3A_22 : i1 to i32
    %cond3A = arith.constant 0 : i32
    %cond3A_23 = arith.cmpi ne, %convert_element_type3A, %cond3A : i32
    scf.if %cond3A_23 {
      %add3A_71 = arith.constant 0 : i32
      %add3A_72 = arith.addi %add3A, %add3A_71 : i32
      %mul3A_73 = arith.constant 128 : i32
      %mul3A_74 = arith.muli %add3A_72, %mul3A_73 : i32
      %dma_start3A_75 = tpu.memref_slice %arg3[%mul3A_74] : memref<320000xi32, #tpu.memory_space<hbm>> -> memref<128xi32, #tpu.memory_space<hbm>>
      %dma_start3A_76 = tpu.memref_slice %arg3[%mul3A_74] : memref<320000xi32, #tpu.memory_space<hbm>> -> memref<128xi32, #tpu.memory_space<hbm>>
      tpu.enqueue_dma source(%dma_start3A_76 : memref<128xi32, #tpu.memory_space<hbm>>) target(%arg8 : memref<128xi32, #tpu.memory_space<vmem>>) target_semaphore(%arg21 : memref<!tpu.dma_semaphore, #tpu.memory_space<semaphore_mem>>)
      %add3A_77 = arith.constant 0 : i32
      %add3A_78 = arith.addi %add3A, %add3A_77 : i32
      %mul3A_79 = arith.constant 128 : i32
      %mul3A_80 = arith.muli %add3A_78, %mul3A_79 : i32
      %dma_start3A_81 = tpu.memref_slice %arg4[%mul3A_80] : memref<320000xi32, #tpu.memory_space<hbm>> -> memref<128xi32, #tpu.memory_space<hbm>>
      %dma_start3A_82 = tpu.memref_slice %arg4[%mul3A_80] : memref<320000xi32, #tpu.memory_space<hbm>> -> memref<128xi32, #tpu.memory_space<hbm>>
      tpu.enqueue_dma source(%dma_start3A_82 : memref<128xi32, #tpu.memory_space<hbm>>) target(%arg10 : memref<128xi32, #tpu.memory_space<vmem>>) target_semaphore(%arg23 : memref<!tpu.dma_semaphore, #tpu.memory_space<semaphore_mem>>)
    } else {
    }
    %eq3A_24 = arith.constant 1 : i32
    %eq3A_25 = arith.cmpi eq, %arg0, %eq3A_24 : i32
    %convert_element_type3A_26 = arith.extui %eq3A_25 : i1 to i32
    %cond3A_27 = arith.constant 0 : i32
    %cond3A_28 = arith.cmpi ne, %convert_element_type3A_26, %cond3A_27 : i32
    scf.if %cond3A_28 {
      %add3A_71 = arith.constant 0 : i32
      %add3A_72 = arith.addi %add3A, %add3A_71 : i32
      %mul3A_73 = arith.constant 128 : i32
      %mul3A_74 = arith.muli %add3A_72, %mul3A_73 : i32
      %dma_start3A_75 = tpu.memref_slice %arg4[%mul3A_74] : memref<320000xi32, #tpu.memory_space<hbm>> -> memref<128xi32, #tpu.memory_space<hbm>>
      %dma_start3A_76 = tpu.memref_slice %arg4[%mul3A_74] : memref<320000xi32, #tpu.memory_space<hbm>> -> memref<128xi32, #tpu.memory_space<hbm>>
      tpu.enqueue_dma source(%dma_start3A_76 : memref<128xi32, #tpu.memory_space<hbm>>) target(%arg8 : memref<128xi32, #tpu.memory_space<vmem>>) target_semaphore(%arg21 : memref<!tpu.dma_semaphore, #tpu.memory_space<semaphore_mem>>)
      %add3A_77 = arith.constant 0 : i32
      %add3A_78 = arith.addi %add3A, %add3A_77 : i32
      %mul3A_79 = arith.constant 128 : i32
      %mul3A_80 = arith.muli %add3A_78, %mul3A_79 : i32
      %dma_start3A_81 = tpu.memref_slice %arg3[%mul3A_80] : memref<320000xi32, #tpu.memory_space<hbm>> -> memref<128xi32, #tpu.memory_space<hbm>>
      %dma_start3A_82 = tpu.memref_slice %arg3[%mul3A_80] : memref<320000xi32, #tpu.memory_space<hbm>> -> memref<128xi32, #tpu.memory_space<hbm>>
      tpu.enqueue_dma source(%dma_start3A_82 : memref<128xi32, #tpu.memory_space<hbm>>) target(%arg10 : memref<128xi32, #tpu.memory_space<vmem>>) target_semaphore(%arg23 : memref<!tpu.dma_semaphore, #tpu.memory_space<semaphore_mem>>)
    } else {
    }
    %add3A_29 = arith.constant 0 : i32
    %add3A_30 = arith.addi %add3A, %add3A_29 : i32
    %mul3A_31 = arith.constant 16 : i32
    %mul3A_32 = arith.muli %add3A_30, %mul3A_31 : i32
    %dma_start3A = arith.constant 0 : i32
    %dma_start3A_33 = tpu.memref_slice %arg5[%mul3A_32, %dma_start3A] : memref<40000x128xf32, #tpu.memory_space<hbm>> -> memref<16x128xf32, #tpu.memory_space<hbm>>
    %dma_start3A_34 = arith.constant 0 : i32
    %dma_start3A_35 = tpu.memref_slice %arg5[%mul3A_32, %dma_start3A_34] : memref<40000x128xf32, #tpu.memory_space<hbm>> -> memref<16x128xf32, #tpu.memory_space<hbm>>
    tpu.enqueue_dma source(%dma_start3A_35 : memref<16x128xf32, #tpu.memory_space<hbm>>) target(%arg12 : memref<16x128xf32, #tpu.memory_space<vmem>>) target_semaphore(%arg19 : memref<!tpu.dma_semaphore, #tpu.memory_space<semaphore_mem>>)
    %add3A_36 = arith.constant 0 : i32
    %add3A_37 = arith.addi %add3A, %add3A_36 : i32
    %mul3A_38 = arith.constant 128 : i32
    %mul3A_39 = arith.muli %add3A_37, %mul3A_38 : i32
    %dma_wait3A = tpu.memref_slice %arg3[%mul3A_39] : memref<320000xi32, #tpu.memory_space<hbm>> -> memref<128xi32, #tpu.memory_space<hbm>>
    %dma_wait3A_40 = tpu.memref_slice %arg3[%mul3A_39] : memref<320000xi32, #tpu.memory_space<hbm>> -> memref<128xi32, #tpu.memory_space<hbm>>
    tpu.wait_dma2 semaphore(%arg21 : memref<!tpu.dma_semaphore, #tpu.memory_space<semaphore_mem>>) src(%dma_wait3A_40 : memref<128xi32, #tpu.memory_space<hbm>>) dst(%arg8 : memref<128xi32, #tpu.memory_space<vmem>>)
    %dma_start3A_41 = arith.constant 0 : i32
    %dma_start3A_42 = arith.constant 0 : i32
    %dma_start3A_43 = tpu.memref_slice %arg2[%dma_start3A_41, %dma_start3A_42] : memref<10000x128xf32, #tpu.memory_space<hbm>> -> memref<10000x128xf32, #tpu.memory_space<hbm>>
    tpu.enqueue_indirect_dma source(%dma_start3A_43 : memref<10000x128xf32, #tpu.memory_space<hbm>>) target(%arg14 : memref<128x128xf32, #tpu.memory_space<vmem>>) offsets(%arg8 : memref<128xi32, #tpu.memory_space<vmem>>) semaphore(%arg17 : memref<!tpu.dma_semaphore, #tpu.memory_space<semaphore_mem>>)
    %scan3A_44 = arith.constant 0 : i32
    %scan3A_45 = arith.constant 0 : i32
    %scan3A_46 = arith.constant 78 : i32
    %scan3A_47 = arith.addi %scan3A_45, %scan3A_46 : i32
    %scan3A_48 = arith.constant 1 : i32
    %scan3A_49 = scf.for %scan3A_71 = %scan3A_45 to %scan3A_47 step %scan3A_48 iter_args(%scan3A_72 = %scan3A_44) -> (i32)  : i32 {
      %mul3A_73 = arith.constant 2 : i32
      %mul3A_74 = arith.muli %mul3A_73, %scan3A_71 : i32
      %add3A_75 = arith.constant 0 : i32
      %add3A_76 = arith.addi %scan3A_71, %add3A_75 : i32
      %gt3A = arith.constant 0 : i32
      %gt3A_77 = arith.cmpi sgt, %add3A_76, %gt3A : i32
      %convert_element_type3A_78 = arith.extui %gt3A_77 : i1 to i32
      %cond3A_79 = arith.constant 0 : i32
      %cond3A_80 = arith.cmpi ne, %convert_element_type3A_78, %cond3A_79 : i32
      scf.if %cond3A_80 {
        %dma_wait3A_175 = arith.constant 0 : i32
        %dma_wait3A_176 = arith.constant 0 : i32
        %dma_wait3A_177 = tpu.memref_slice %arg16[%dma_wait3A_175, %dma_wait3A_176] : memref<10000x128xf32, #tpu.memory_space<vmem_shared>> -> memref<10000x128xf32, #tpu.memory_space<vmem_shared>>
        tpu.wait_indirect_dma semaphore(%arg26 : memref<!tpu.dma_semaphore, #tpu.memory_space<semaphore_mem>>) src(%arg15 : memref<128x128xf32, #tpu.memory_space<vmem>>) dst(%dma_wait3A_177 : memref<10000x128xf32, #tpu.memory_space<vmem_shared>>)
      } else {
      }
      %mul3A_81 = arith.constant 2 : i32
      %mul3A_82 = arith.muli %mul3A_81, %scan3A_71 : i32
      %add3A_83 = arith.constant 1 : i32
      %add3A_84 = arith.addi %mul3A_82, %add3A_83 : i32
      %eq3A_85 = arith.constant 0 : i32
      %eq3A_86 = arith.cmpi eq, %arg0, %eq3A_85 : i32
      %convert_element_type3A_87 = arith.extui %eq3A_86 : i1 to i32
      %cond3A_88 = arith.constant 0 : i32
      %cond3A_89 = arith.cmpi ne, %convert_element_type3A_87, %cond3A_88 : i32
      scf.if %cond3A_89 {
        %add3A_175 = arith.addi %add3A, %add3A_84 : i32
        %mul3A_176 = arith.constant 128 : i32
        %mul3A_177 = arith.muli %add3A_175, %mul3A_176 : i32
        %dma_start3A_178 = tpu.memref_slice %arg3[%mul3A_177] : memref<320000xi32, #tpu.memory_space<hbm>> -> memref<128xi32, #tpu.memory_space<hbm>>
        %dma_start3A_179 = tpu.memref_slice %arg3[%mul3A_177] : memref<320000xi32, #tpu.memory_space<hbm>> -> memref<128xi32, #tpu.memory_space<hbm>>
        tpu.enqueue_dma source(%dma_start3A_179 : memref<128xi32, #tpu.memory_space<hbm>>) target(%arg9 : memref<128xi32, #tpu.memory_space<vmem>>) target_semaphore(%arg22 : memref<!tpu.dma_semaphore, #tpu.memory_space<semaphore_mem>>)
        %add3A_180 = arith.addi %add3A, %add3A_84 : i32
        %mul3A_181 = arith.constant 128 : i32
        %mul3A_182 = arith.muli %add3A_180, %mul3A_181 : i32
        %dma_start3A_183 = tpu.memref_slice %arg4[%mul3A_182] : memref<320000xi32, #tpu.memory_space<hbm>> -> memref<128xi32, #tpu.memory_space<hbm>>
        %dma_start3A_184 = tpu.memref_slice %arg4[%mul3A_182] : memref<320000xi32, #tpu.memory_space<hbm>> -> memref<128xi32, #tpu.memory_space<hbm>>
        tpu.enqueue_dma source(%dma_start3A_184 : memref<128xi32, #tpu.memory_space<hbm>>) target(%arg11 : memref<128xi32, #tpu.memory_space<vmem>>) target_semaphore(%arg24 : memref<!tpu.dma_semaphore, #tpu.memory_space<semaphore_mem>>)
      } else {
      }
      %eq3A_90 = arith.constant 1 : i32
      %eq3A_91 = arith.cmpi eq, %arg0, %eq3A_90 : i32
      %convert_element_type3A_92 = arith.extui %eq3A_91 : i1 to i32
      %cond3A_93 = arith.constant 0 : i32
      %cond3A_94 = arith.cmpi ne, %convert_element_type3A_92, %cond3A_93 : i32
      scf.if %cond3A_94 {
        %add3A_175 = arith.addi %add3A, %add3A_84 : i32
        %mul3A_176 = arith.constant 128 : i32
        %mul3A_177 = arith.muli %add3A_175, %mul3A_176 : i32
        %dma_start3A_178 = tpu.memref_slice %arg4[%mul3A_177] : memref<320000xi32, #tpu.memory_space<hbm>> -> memref<128xi32, #tpu.memory_space<hbm>>
        %dma_start3A_179 = tpu.memref_slice %arg4[%mul3A_177] : memref<320000xi32, #tpu.memory_space<hbm>> -> memref<128xi32, #tpu.memory_space<hbm>>
        tpu.enqueue_dma source(%dma_start3A_179 : memref<128xi32, #tpu.memory_space<hbm>>) target(%arg9 : memref<128xi32, #tpu.memory_space<vmem>>) target_semaphore(%arg22 : memref<!tpu.dma_semaphore, #tpu.memory_space<semaphore_mem>>)
        %add3A_180 = arith.addi %add3A, %add3A_84 : i32
        %mul3A_181 = arith.constant 128 : i32
        %mul3A_182 = arith.muli %add3A_180, %mul3A_181 : i32
        %dma_start3A_183 = tpu.memref_slice %arg3[%mul3A_182] : memref<320000xi32, #tpu.memory_space<hbm>> -> memref<128xi32, #tpu.memory_space<hbm>>
        %dma_start3A_184 = tpu.memref_slice %arg3[%mul3A_182] : memref<320000xi32, #tpu.memory_space<hbm>> -> memref<128xi32, #tpu.memory_space<hbm>>
        tpu.enqueue_dma source(%dma_start3A_184 : memref<128xi32, #tpu.memory_space<hbm>>) target(%arg11 : memref<128xi32, #tpu.memory_space<vmem>>) target_semaphore(%arg24 : memref<!tpu.dma_semaphore, #tpu.memory_space<semaphore_mem>>)
      } else {
      }
      %add3A_95 = arith.addi %add3A, %add3A_84 : i32
      %mul3A_96 = arith.constant 16 : i32
      %mul3A_97 = arith.muli %add3A_95, %mul3A_96 : i32
      %dma_start3A_98 = arith.constant 0 : i32
      %dma_start3A_99 = tpu.memref_slice %arg5[%mul3A_97, %dma_start3A_98] : memref<40000x128xf32, #tpu.memory_space<hbm>> -> memref<16x128xf32, #tpu.memory_space<hbm>>
      %dma_start3A_100 = arith.constant 0 : i32
      %dma_start3A_101 = tpu.memref_slice %arg5[%mul3A_97, %dma_start3A_100] : memref<40000x128xf32, #tpu.memory_space<hbm>> -> memref<16x128xf32, #tpu.memory_space<hbm>>
      tpu.enqueue_dma source(%dma_start3A_101 : memref<16x128xf32, #tpu.memory_space<hbm>>) target(%arg13 : memref<16x128xf32, #tpu.memory_space<vmem>>) target_semaphore(%arg20 : memref<!tpu.dma_semaphore, #tpu.memory_space<semaphore_mem>>)
      %add3A_102 = arith.addi %add3A, %add3A_84 : i32
      %mul3A_103 = arith.constant 128 : i32
      %mul3A_104 = arith.muli %add3A_102, %mul3A_103 : i32
      %dma_wait3A_105 = tpu.memref_slice %arg3[%mul3A_104] : memref<320000xi32, #tpu.memory_space<hbm>> -> memref<128xi32, #tpu.memory_space<hbm>>
      %dma_wait3A_106 = tpu.memref_slice %arg3[%mul3A_104] : memref<320000xi32, #tpu.memory_space<hbm>> -> memref<128xi32, #tpu.memory_space<hbm>>
      tpu.wait_dma2 semaphore(%arg22 : memref<!tpu.dma_semaphore, #tpu.memory_space<semaphore_mem>>) src(%dma_wait3A_106 : memref<128xi32, #tpu.memory_space<hbm>>) dst(%arg9 : memref<128xi32, #tpu.memory_space<vmem>>)
      %dma_start3A_107 = arith.constant 0 : i32
      %dma_start3A_108 = arith.constant 0 : i32
      %dma_start3A_109 = tpu.memref_slice %arg2[%dma_start3A_107, %dma_start3A_108] : memref<10000x128xf32, #tpu.memory_space<hbm>> -> memref<10000x128xf32, #tpu.memory_space<hbm>>
      tpu.enqueue_indirect_dma source(%dma_start3A_109 : memref<10000x128xf32, #tpu.memory_space<hbm>>) target(%arg15 : memref<128x128xf32, #tpu.memory_space<vmem>>) offsets(%arg9 : memref<128xi32, #tpu.memory_space<vmem>>) semaphore(%arg18 : memref<!tpu.dma_semaphore, #tpu.memory_space<semaphore_mem>>)
      %dma_wait3A_110 = arith.constant 0 : i32
      %dma_wait3A_111 = arith.constant 0 : i32
      %dma_wait3A_112 = tpu.memref_slice %arg2[%dma_wait3A_110, %dma_wait3A_111] : memref<10000x128xf32, #tpu.memory_space<hbm>> -> memref<10000x128xf32, #tpu.memory_space<hbm>>
      tpu.wait_indirect_dma semaphore(%arg17 : memref<!tpu.dma_semaphore, #tpu.memory_space<semaphore_mem>>) src(%dma_wait3A_112 : memref<10000x128xf32, #tpu.memory_space<hbm>>) dst(%arg14 : memref<128x128xf32, #tpu.memory_space<vmem>>)
      %add3A_113 = arith.addi %add3A, %mul3A_74 : i32
      %mul3A_114 = arith.constant 16 : i32
      %mul3A_115 = arith.muli %add3A_113, %mul3A_114 : i32
      %dma_wait3A_116 = arith.constant 0 : i32
      %dma_wait3A_117 = tpu.memref_slice %arg5[%mul3A_115, %dma_wait3A_116] : memref<40000x128xf32, #tpu.memory_space<hbm>> -> memref<16x128xf32, #tpu.memory_space<hbm>>
      %dma_wait3A_118 = arith.constant 0 : i32
      %dma_wait3A_119 = tpu.memref_slice %arg5[%mul3A_115, %dma_wait3A_118] : memref<40000x128xf32, #tpu.memory_space<hbm>> -> memref<16x128xf32, #tpu.memory_space<hbm>>
      tpu.wait_dma2 semaphore(%arg19 : memref<!tpu.dma_semaphore, #tpu.memory_space<semaphore_mem>>) src(%dma_wait3A_119 : memref<16x128xf32, #tpu.memory_space<hbm>>) dst(%arg12 : memref<16x128xf32, #tpu.memory_space<vmem>>)
      %parallel_loop3A = arith.constant 0 : i32
      %parallel_loop3A_120 = arith.constant 128 : i32
      %parallel_loop3A_121 = arith.constant 1 : i32
      scf.for %parallel_loop3A_175 = %parallel_loop3A to %parallel_loop3A_120 step %parallel_loop3A_121  : i32 {
        %parallel_loop3A_176 = arith.constant 8 : i32
        %parallel_loop3A_177 = arith.divsi %parallel_loop3A_175, %parallel_loop3A_176 : i32
        %parallel_loop3A_178 = arith.constant 0 : i32
        %parallel_loop3A_179 = arith.cmpi sgt, %parallel_loop3A_175, %parallel_loop3A_178 : i32
        %parallel_loop3A_180 = arith.extui %parallel_loop3A_179 : i1 to i32
        %parallel_loop3A_181 = arith.constant 0 : i32
        %parallel_loop3A_182 = arith.cmpi slt, %parallel_loop3A_175, %parallel_loop3A_181 : i32
        %parallel_loop3A_183 = arith.extui %parallel_loop3A_182 : i1 to i32
        %parallel_loop3A_184 = arith.subi %parallel_loop3A_180, %parallel_loop3A_183 : i32
        %parallel_loop3A_185 = arith.constant 0 : i32
        %parallel_loop3A_186 = arith.cmpi sgt, %parallel_loop3A_176, %parallel_loop3A_185 : i32
        %parallel_loop3A_187 = arith.extui %parallel_loop3A_186 : i1 to i32
        %parallel_loop3A_188 = arith.constant 0 : i32
        %parallel_loop3A_189 = arith.cmpi slt, %parallel_loop3A_176, %parallel_loop3A_188 : i32
        %parallel_loop3A_190 = arith.extui %parallel_loop3A_189 : i1 to i32
        %parallel_loop3A_191 = arith.subi %parallel_loop3A_187, %parallel_loop3A_190 : i32
        %parallel_loop3A_192 = arith.cmpi ne, %parallel_loop3A_184, %parallel_loop3A_191 : i32
        %parallel_loop3A_193 = arith.remsi %parallel_loop3A_175, %parallel_loop3A_176 : i32
        %parallel_loop3A_194 = arith.constant 0 : i32
        %parallel_loop3A_195 = arith.cmpi ne, %parallel_loop3A_193, %parallel_loop3A_194 : i32
        %parallel_loop3A_196 = arith.andi %parallel_loop3A_192, %parallel_loop3A_195 : i1
        %parallel_loop3A_197 = arith.constant 1 : i32
        %parallel_loop3A_198 = arith.subi %parallel_loop3A_177, %parallel_loop3A_197 : i32
        %parallel_loop3A_199 = arith.select %parallel_loop3A_196, %parallel_loop3A_198, %parallel_loop3A_177 : i32
        %parallel_loop3A_200 = arith.constant 8 : i32
        %parallel_loop3A_201 = arith.constant 0 : i32
        %parallel_loop3A_202 = arith.cmpi eq, %parallel_loop3A_200, %parallel_loop3A_201 : i32
        %parallel_loop3A_203 = arith.constant 1 : i32
        %parallel_loop3A_204 = arith.select %parallel_loop3A_202, %parallel_loop3A_203, %parallel_loop3A_200 : i32
        %parallel_loop3A_205 = arith.remsi %parallel_loop3A_175, %parallel_loop3A_204 : i32
        %parallel_loop3A_206 = arith.constant 0 : i32
        %parallel_loop3A_207 = arith.cmpi ne, %parallel_loop3A_205, %parallel_loop3A_206 : i32
        %parallel_loop3A_208 = arith.constant 0 : i32
        %parallel_loop3A_209 = arith.cmpi slt, %parallel_loop3A_205, %parallel_loop3A_208 : i32
        %parallel_loop3A_210 = arith.constant 0 : i32
        %parallel_loop3A_211 = arith.cmpi slt, %parallel_loop3A_204, %parallel_loop3A_210 : i32
        %parallel_loop3A_212 = arith.xori %parallel_loop3A_209, %parallel_loop3A_211 : i1
        %parallel_loop3A_213 = arith.andi %parallel_loop3A_212, %parallel_loop3A_207 : i1
        %parallel_loop3A_214 = arith.addi %parallel_loop3A_205, %parallel_loop3A_204 : i32
        %parallel_loop3A_215 = arith.select %parallel_loop3A_213, %parallel_loop3A_214, %parallel_loop3A_205 : i32
        %parallel_loop3A_216 = arith.constant 16 : i32
        %parallel_loop3A_217 = arith.muli %parallel_loop3A_215, %parallel_loop3A_216 : i32
        %parallel_loop3A_218 = arith.index_cast %parallel_loop3A_199 : i32 to index
        %parallel_loop3A_219 = arith.index_cast %parallel_loop3A_217 : i32 to index
        %parallel_loop3A_220 = tpu.vector_load %arg12[%parallel_loop3A_218, %parallel_loop3A_219] {strides = array<i32>} : memref<16x128xf32, #tpu.memory_space<vmem>>, vector<1x16xf32>,
        %parallel_loop3A_221 = vector.shape_cast %parallel_loop3A_220 : vector<1x16xf32> to vector<16xf32>
        %parallel_loop3A_222 = arith.index_cast %parallel_loop3A_175 : i32 to index
        %parallel_loop3A_223 = arith.constant 0 : index
        %parallel_loop3A_224 = tpu.vector_load %arg14[%parallel_loop3A_222, %parallel_loop3A_223] {strides = array<i32>} : memref<128x128xf32, #tpu.memory_space<vmem>>, vector<1x16xf32>,
        %parallel_loop3A_225 = vector.shape_cast %parallel_loop3A_224 : vector<1x16xf32> to vector<16xf32>
        %parallel_loop3A_226 = arith.mulf %parallel_loop3A_225, %parallel_loop3A_221 : vector<16xf32>
        %parallel_loop3A_227 = arith.index_cast %parallel_loop3A_175 : i32 to index
        %parallel_loop3A_228 = arith.constant 0 : index
        %parallel_loop3A_229 = tpu.vector_load %arg14[%parallel_loop3A_227, %parallel_loop3A_228] {strides = array<i32>} : memref<128x128xf32, #tpu.memory_space<vmem>>, vector<1x16xf32>,
        %parallel_loop3A_230 = vector.shape_cast %parallel_loop3A_229 : vector<1x16xf32> to vector<16xf32>
        %parallel_loop3A_231 = vector.shape_cast %parallel_loop3A_226 : vector<16xf32> to vector<1x16xf32>
        tpu.vector_store %arg14[%parallel_loop3A_227, %parallel_loop3A_228], %parallel_loop3A_231 {strides = array<i32>} : memref<128x128xf32, #tpu.memory_space<vmem>>, vector<1x16xf32>,
        %parallel_loop3A_232 = arith.index_cast %parallel_loop3A_175 : i32 to index
        %parallel_loop3A_233 = arith.constant 16 : index
        %parallel_loop3A_234 = tpu.vector_load %arg14[%parallel_loop3A_232, %parallel_loop3A_233] {strides = array<i32>} : memref<128x128xf32, #tpu.memory_space<vmem>>, vector<1x16xf32>,
        %parallel_loop3A_235 = vector.shape_cast %parallel_loop3A_234 : vector<1x16xf32> to vector<16xf32>
        %parallel_loop3A_236 = arith.mulf %parallel_loop3A_235, %parallel_loop3A_221 : vector<16xf32>
        %parallel_loop3A_237 = arith.index_cast %parallel_loop3A_175 : i32 to index
        %parallel_loop3A_238 = arith.constant 16 : index
        %parallel_loop3A_239 = tpu.vector_load %arg14[%parallel_loop3A_237, %parallel_loop3A_238] {strides = array<i32>} : memref<128x128xf32, #tpu.memory_space<vmem>>, vector<1x16xf32>,
        %parallel_loop3A_240 = vector.shape_cast %parallel_loop3A_239 : vector<1x16xf32> to vector<16xf32>
        %parallel_loop3A_241 = vector.shape_cast %parallel_loop3A_236 : vector<16xf32> to vector<1x16xf32>
        tpu.vector_store %arg14[%parallel_loop3A_237, %parallel_loop3A_238], %parallel_loop3A_241 {strides = array<i32>} : memref<128x128xf32, #tpu.memory_space<vmem>>, vector<1x16xf32>,
        %parallel_loop3A_242 = arith.index_cast %parallel_loop3A_175 : i32 to index
        %parallel_loop3A_243 = arith.constant 32 : index
        %parallel_loop3A_244 = tpu.vector_load %arg14[%parallel_loop3A_242, %parallel_loop3A_243] {strides = array<i32>} : memref<128x128xf32, #tpu.memory_space<vmem>>, vector<1x16xf32>,
        %parallel_loop3A_245 = vector.shape_cast %parallel_loop3A_244 : vector<1x16xf32> to vector<16xf32>
        %parallel_loop3A_246 = arith.mulf %parallel_loop3A_245, %parallel_loop3A_221 : vector<16xf32>
        %parallel_loop3A_247 = arith.index_cast %parallel_loop3A_175 : i32 to index
        %parallel_loop3A_248 = arith.constant 32 : index
        %parallel_loop3A_249 = tpu.vector_load %arg14[%parallel_loop3A_247, %parallel_loop3A_248] {strides = array<i32>} : memref<128x128xf32, #tpu.memory_space<vmem>>, vector<1x16xf32>,
        %parallel_loop3A_250 = vector.shape_cast %parallel_loop3A_249 : vector<1x16xf32> to vector<16xf32>
        %parallel_loop3A_251 = vector.shape_cast %parallel_loop3A_246 : vector<16xf32> to vector<1x16xf32>
        tpu.vector_store %arg14[%parallel_loop3A_247, %parallel_loop3A_248], %parallel_loop3A_251 {strides = array<i32>} : memref<128x128xf32, #tpu.memory_space<vmem>>, vector<1x16xf32>,
        %parallel_loop3A_252 = arith.index_cast %parallel_loop3A_175 : i32 to index
        %parallel_loop3A_253 = arith.constant 48 : index
        %parallel_loop3A_254 = tpu.vector_load %arg14[%parallel_loop3A_252, %parallel_loop3A_253] {strides = array<i32>} : memref<128x128xf32, #tpu.memory_space<vmem>>, vector<1x16xf32>,
        %parallel_loop3A_255 = vector.shape_cast %parallel_loop3A_254 : vector<1x16xf32> to vector<16xf32>
        %parallel_loop3A_256 = arith.mulf %parallel_loop3A_255, %parallel_loop3A_221 : vector<16xf32>
        %parallel_loop3A_257 = arith.index_cast %parallel_loop3A_175 : i32 to index
        %parallel_loop3A_258 = arith.constant 48 : index
        %parallel_loop3A_259 = tpu.vector_load %arg14[%parallel_loop3A_257, %parallel_loop3A_258] {strides = array<i32>} : memref<128x128xf32, #tpu.memory_space<vmem>>, vector<1x16xf32>,
        %parallel_loop3A_260 = vector.shape_cast %parallel_loop3A_259 : vector<1x16xf32> to vector<16xf32>
        %parallel_loop3A_261 = vector.shape_cast %parallel_loop3A_256 : vector<16xf32> to vector<1x16xf32>
        tpu.vector_store %arg14[%parallel_loop3A_257, %parallel_loop3A_258], %parallel_loop3A_261 {strides = array<i32>} : memref<128x128xf32, #tpu.memory_space<vmem>>, vector<1x16xf32>,
        %parallel_loop3A_262 = arith.index_cast %parallel_loop3A_175 : i32 to index
        %parallel_loop3A_263 = arith.constant 64 : index
        %parallel_loop3A_264 = tpu.vector_load %arg14[%parallel_loop3A_262, %parallel_loop3A_263] {strides = array<i32>} : memref<128x128xf32, #tpu.memory_space<vmem>>, vector<1x16xf32>,
        %parallel_loop3A_265 = vector.shape_cast %parallel_loop3A_264 : vector<1x16xf32> to vector<16xf32>
        %parallel_loop3A_266 = arith.mulf %parallel_loop3A_265, %parallel_loop3A_221 : vector<16xf32>
        %parallel_loop3A_267 = arith.index_cast %parallel_loop3A_175 : i32 to index
        %parallel_loop3A_268 = arith.constant 64 : index
        %parallel_loop3A_269 = tpu.vector_load %arg14[%parallel_loop3A_267, %parallel_loop3A_268] {strides = array<i32>} : memref<128x128xf32, #tpu.memory_space<vmem>>, vector<1x16xf32>,
        %parallel_loop3A_270 = vector.shape_cast %parallel_loop3A_269 : vector<1x16xf32> to vector<16xf32>
        %parallel_loop3A_271 = vector.shape_cast %parallel_loop3A_266 : vector<16xf32> to vector<1x16xf32>
        tpu.vector_store %arg14[%parallel_loop3A_267, %parallel_loop3A_268], %parallel_loop3A_271 {strides = array<i32>} : memref<128x128xf32, #tpu.memory_space<vmem>>, vector<1x16xf32>,
        %parallel_loop3A_272 = arith.index_cast %parallel_loop3A_175 : i32 to index
        %parallel_loop3A_273 = arith.constant 80 : index
        %parallel_loop3A_274 = tpu.vector_load %arg14[%parallel_loop3A_272, %parallel_loop3A_273] {strides = array<i32>} : memref<128x128xf32, #tpu.memory_space<vmem>>, vector<1x16xf32>,
        %parallel_loop3A_275 = vector.shape_cast %parallel_loop3A_274 : vector<1x16xf32> to vector<16xf32>
        %parallel_loop3A_276 = arith.mulf %parallel_loop3A_275, %parallel_loop3A_221 : vector<16xf32>
        %parallel_loop3A_277 = arith.index_cast %parallel_loop3A_175 : i32 to index
        %parallel_loop3A_278 = arith.constant 80 : index
        %parallel_loop3A_279 = tpu.vector_load %arg14[%parallel_loop3A_277, %parallel_loop3A_278] {strides = array<i32>} : memref<128x128xf32, #tpu.memory_space<vmem>>, vector<1x16xf32>,
        %parallel_loop3A_280 = vector.shape_cast %parallel_loop3A_279 : vector<1x16xf32> to vector<16xf32>
        %parallel_loop3A_281 = vector.shape_cast %parallel_loop3A_276 : vector<16xf32> to vector<1x16xf32>
        tpu.vector_store %arg14[%parallel_loop3A_277, %parallel_loop3A_278], %parallel_loop3A_281 {strides = array<i32>} : memref<128x128xf32, #tpu.memory_space<vmem>>, vector<1x16xf32>,
        %parallel_loop3A_282 = arith.index_cast %parallel_loop3A_175 : i32 to index
        %parallel_loop3A_283 = arith.constant 96 : index
        %parallel_loop3A_284 = tpu.vector_load %arg14[%parallel_loop3A_282, %parallel_loop3A_283] {strides = array<i32>} : memref<128x128xf32, #tpu.memory_space<vmem>>, vector<1x16xf32>,
        %parallel_loop3A_285 = vector.shape_cast %parallel_loop3A_284 : vector<1x16xf32> to vector<16xf32>
        %parallel_loop3A_286 = arith.mulf %parallel_loop3A_285, %parallel_loop3A_221 : vector<16xf32>
        %parallel_loop3A_287 = arith.index_cast %parallel_loop3A_175 : i32 to index
        %parallel_loop3A_288 = arith.constant 96 : index
        %parallel_loop3A_289 = tpu.vector_load %arg14[%parallel_loop3A_287, %parallel_loop3A_288] {strides = array<i32>} : memref<128x128xf32, #tpu.memory_space<vmem>>, vector<1x16xf32>,
        %parallel_loop3A_290 = vector.shape_cast %parallel_loop3A_289 : vector<1x16xf32> to vector<16xf32>
        %parallel_loop3A_291 = vector.shape_cast %parallel_loop3A_286 : vector<16xf32> to vector<1x16xf32>
        tpu.vector_store %arg14[%parallel_loop3A_287, %parallel_loop3A_288], %parallel_loop3A_291 {strides = array<i32>} : memref<128x128xf32, #tpu.memory_space<vmem>>, vector<1x16xf32>,
        %parallel_loop3A_292 = arith.index_cast %parallel_loop3A_175 : i32 to index
        %parallel_loop3A_293 = arith.constant 112 : index
        %parallel_loop3A_294 = tpu.vector_load %arg14[%parallel_loop3A_292, %parallel_loop3A_293] {strides = array<i32>} : memref<128x128xf32, #tpu.memory_space<vmem>>, vector<1x16xf32>,
        %parallel_loop3A_295 = vector.shape_cast %parallel_loop3A_294 : vector<1x16xf32> to vector<16xf32>
        %parallel_loop3A_296 = arith.mulf %parallel_loop3A_295, %parallel_loop3A_221 : vector<16xf32>
        %parallel_loop3A_297 = arith.index_cast %parallel_loop3A_175 : i32 to index
        %parallel_loop3A_298 = arith.constant 112 : index
        %parallel_loop3A_299 = tpu.vector_load %arg14[%parallel_loop3A_297, %parallel_loop3A_298] {strides = array<i32>} : memref<128x128xf32, #tpu.memory_space<vmem>>, vector<1x16xf32>,
        %parallel_loop3A_300 = vector.shape_cast %parallel_loop3A_299 : vector<1x16xf32> to vector<16xf32>
        %parallel_loop3A_301 = vector.shape_cast %parallel_loop3A_296 : vector<16xf32> to vector<1x16xf32>
        tpu.vector_store %arg14[%parallel_loop3A_297, %parallel_loop3A_298], %parallel_loop3A_301 {strides = array<i32>} : memref<128x128xf32, #tpu.memory_space<vmem>>, vector<1x16xf32>,
      } {sc.loop_unroll_factor = 2 : i64, sc.parallel_access}
      %add3A_122 = arith.addi %add3A, %mul3A_74 : i32
      %mul3A_123 = arith.constant 128 : i32
      %mul3A_124 = arith.muli %add3A_122, %mul3A_123 : i32
      %dma_wait3A_125 = tpu.memref_slice %arg4[%mul3A_124] : memref<320000xi32, #tpu.memory_space<hbm>> -> memref<128xi32, #tpu.memory_space<hbm>>
      %dma_wait3A_126 = tpu.memref_slice %arg4[%mul3A_124] : memref<320000xi32, #tpu.memory_space<hbm>> -> memref<128xi32, #tpu.memory_space<hbm>>
      tpu.wait_dma2 semaphore(%arg23 : memref<!tpu.dma_semaphore, #tpu.memory_space<semaphore_mem>>) src(%dma_wait3A_126 : memref<128xi32, #tpu.memory_space<hbm>>) dst(%arg10 : memref<128xi32, #tpu.memory_space<vmem>>)
      %dma_start3A_127 = arith.constant 0 : i32
      %dma_start3A_128 = arith.constant 0 : i32
      %dma_start3A_129 = tpu.memref_slice %arg16[%dma_start3A_127, %dma_start3A_128] : memref<10000x128xf32, #tpu.memory_space<vmem_shared>> -> memref<10000x128xf32, #tpu.memory_space<vmem_shared>>
      tpu.enqueue_indirect_dma source(%arg14 : memref<128x128xf32, #tpu.memory_space<vmem>>) target(%dma_start3A_129 : memref<10000x128xf32, #tpu.memory_space<vmem_shared>>) offsets(%arg10 : memref<128xi32, #tpu.memory_space<vmem>>) semaphore(%arg25 : memref<!tpu.dma_semaphore, #tpu.memory_space<semaphore_mem>>) {add = true}
      %mul3A_130 = arith.constant 2 : i32
      %mul3A_131 = arith.muli %mul3A_130, %scan3A_71 : i32
      %add3A_132 = arith.constant 1 : i32
      %add3A_133 = arith.addi %mul3A_131, %add3A_132 : i32
      %add3A_134 = arith.constant 1 : i32
      %add3A_135 = arith.addi %scan3A_71, %add3A_134 : i32
      %gt3A_136 = arith.constant 0 : i32
      %gt3A_137 = arith.cmpi sgt, %add3A_135, %gt3A_136 : i32
      %convert_element_type3A_138 = arith.extui %gt3A_137 : i1 to i32
      %cond3A_139 = arith.constant 0 : i32
      %cond3A_140 = arith.cmpi ne, %convert_element_type3A_138, %cond3A_139 : i32
      scf.if %cond3A_140 {
        %dma_wait3A_175 = arith.constant 0 : i32
        %dma_wait3A_176 = arith.constant 0 : i32
        %dma_wait3A_177 = tpu.memref_slice %arg16[%dma_wait3A_175, %dma_wait3A_176] : memref<10000x128xf32, #tpu.memory_space<vmem_shared>> -> memref<10000x128xf32, #tpu.memory_space<vmem_shared>>
        tpu.wait_indirect_dma semaphore(%arg25 : memref<!tpu.dma_semaphore, #tpu.memory_space<semaphore_mem>>) src(%arg14 : memref<128x128xf32, #tpu.memory_space<vmem>>) dst(%dma_wait3A_177 : memref<10000x128xf32, #tpu.memory_space<vmem_shared>>)
      } else {
      }
      %lt3A_141 = arith.constant 77 : i32
      %lt3A_142 = arith.cmpi slt, %scan3A_71, %lt3A_141 : i32
      %convert_element_type3A_143 = arith.extui %lt3A_142 : i1 to i32
      %cond3A_144 = arith.constant 0 : i32
      %cond3A_145 = arith.cmpi ne, %convert_element_type3A_143, %cond3A_144 : i32
      scf.if %cond3A_145 {
        %mul3A_175 = arith.constant 2 : i32
        %mul3A_176 = arith.muli %mul3A_175, %scan3A_71 : i32
        %add3A_177 = arith.constant 2 : i32
        %add3A_178 = arith.addi %mul3A_176, %add3A_177 : i32
        %eq3A_179 = arith.constant 0 : i32
        %eq3A_180 = arith.cmpi eq, %arg0, %eq3A_179 : i32
        %convert_element_type3A_181 = arith.extui %eq3A_180 : i1 to i32
        %cond3A_182 = arith.constant 0 : i32
        %cond3A_183 = arith.cmpi ne, %convert_element_type3A_181, %cond3A_182 : i32
        scf.if %cond3A_183 {
          %add3A_204 = arith.addi %add3A, %add3A_178 : i32
          %mul3A_205 = arith.constant 128 : i32
          %mul3A_206 = arith.muli %add3A_204, %mul3A_205 : i32
          %dma_start3A_207 = tpu.memref_slice %arg3[%mul3A_206] : memref<320000xi32, #tpu.memory_space<hbm>> -> memref<128xi32, #tpu.memory_space<hbm>>
          %dma_start3A_208 = tpu.memref_slice %arg3[%mul3A_206] : memref<320000xi32, #tpu.memory_space<hbm>> -> memref<128xi32, #tpu.memory_space<hbm>>
          tpu.enqueue_dma source(%dma_start3A_208 : memref<128xi32, #tpu.memory_space<hbm>>) target(%arg8 : memref<128xi32, #tpu.memory_space<vmem>>) target_semaphore(%arg21 : memref<!tpu.dma_semaphore, #tpu.memory_space<semaphore_mem>>)
          %add3A_209 = arith.addi %add3A, %add3A_178 : i32
          %mul3A_210 = arith.constant 128 : i32
          %mul3A_211 = arith.muli %add3A_209, %mul3A_210 : i32
          %dma_start3A_212 = tpu.memref_slice %arg4[%mul3A_211] : memref<320000xi32, #tpu.memory_space<hbm>> -> memref<128xi32, #tpu.memory_space<hbm>>
          %dma_start3A_213 = tpu.memref_slice %arg4[%mul3A_211] : memref<320000xi32, #tpu.memory_space<hbm>> -> memref<128xi32, #tpu.memory_space<hbm>>
          tpu.enqueue_dma source(%dma_start3A_213 : memref<128xi32, #tpu.memory_space<hbm>>) target(%arg10 : memref<128xi32, #tpu.memory_space<vmem>>) target_semaphore(%arg23 : memref<!tpu.dma_semaphore, #tpu.memory_space<semaphore_mem>>)
        } else {
        }
        %eq3A_184 = arith.constant 1 : i32
        %eq3A_185 = arith.cmpi eq, %arg0, %eq3A_184 : i32
        %convert_element_type3A_186 = arith.extui %eq3A_185 : i1 to i32
        %cond3A_187 = arith.constant 0 : i32
        %cond3A_188 = arith.cmpi ne, %convert_element_type3A_186, %cond3A_187 : i32
        scf.if %cond3A_188 {
          %add3A_204 = arith.addi %add3A, %add3A_178 : i32
          %mul3A_205 = arith.constant 128 : i32
          %mul3A_206 = arith.muli %add3A_204, %mul3A_205 : i32
          %dma_start3A_207 = tpu.memref_slice %arg4[%mul3A_206] : memref<320000xi32, #tpu.memory_space<hbm>> -> memref<128xi32, #tpu.memory_space<hbm>>
          %dma_start3A_208 = tpu.memref_slice %arg4[%mul3A_206] : memref<320000xi32, #tpu.memory_space<hbm>> -> memref<128xi32, #tpu.memory_space<hbm>>
          tpu.enqueue_dma source(%dma_start3A_208 : memref<128xi32, #tpu.memory_space<hbm>>) target(%arg8 : memref<128xi32, #tpu.memory_space<vmem>>) target_semaphore(%arg21 : memref<!tpu.dma_semaphore, #tpu.memory_space<semaphore_mem>>)
          %add3A_209 = arith.addi %add3A, %add3A_178 : i32
          %mul3A_210 = arith.constant 128 : i32
          %mul3A_211 = arith.muli %add3A_209, %mul3A_210 : i32
          %dma_start3A_212 = tpu.memref_slice %arg3[%mul3A_211] : memref<320000xi32, #tpu.memory_space<hbm>> -> memref<128xi32, #tpu.memory_space<hbm>>
          %dma_start3A_213 = tpu.memref_slice %arg3[%mul3A_211] : memref<320000xi32, #tpu.memory_space<hbm>> -> memref<128xi32, #tpu.memory_space<hbm>>
          tpu.enqueue_dma source(%dma_start3A_213 : memref<128xi32, #tpu.memory_space<hbm>>) target(%arg10 : memref<128xi32, #tpu.memory_space<vmem>>) target_semaphore(%arg23 : memref<!tpu.dma_semaphore, #tpu.memory_space<semaphore_mem>>)
        } else {
        }
        %add3A_189 = arith.addi %add3A, %add3A_178 : i32
        %mul3A_190 = arith.constant 16 : i32
        %mul3A_191 = arith.muli %add3A_189, %mul3A_190 : i32
        %dma_start3A_192 = arith.constant 0 : i32
        %dma_start3A_193 = tpu.memref_slice %arg5[%mul3A_191, %dma_start3A_192] : memref<40000x128xf32, #tpu.memory_space<hbm>> -> memref<16x128xf32, #tpu.memory_space<hbm>>
        %dma_start3A_194 = arith.constant 0 : i32
        %dma_start3A_195 = tpu.memref_slice %arg5[%mul3A_191, %dma_start3A_194] : memref<40000x128xf32, #tpu.memory_space<hbm>> -> memref<16x128xf32, #tpu.memory_space<hbm>>
        tpu.enqueue_dma source(%dma_start3A_195 : memref<16x128xf32, #tpu.memory_space<hbm>>) target(%arg12 : memref<16x128xf32, #tpu.memory_space<vmem>>) target_semaphore(%arg19 : memref<!tpu.dma_semaphore, #tpu.memory_space<semaphore_mem>>)
        %add3A_196 = arith.addi %add3A, %add3A_178 : i32
        %mul3A_197 = arith.constant 128 : i32
        %mul3A_198 = arith.muli %add3A_196, %mul3A_197 : i32
        %dma_wait3A_199 = tpu.memref_slice %arg3[%mul3A_198] : memref<320000xi32, #tpu.memory_space<hbm>> -> memref<128xi32, #tpu.memory_space<hbm>>
        %dma_wait3A_200 = tpu.memref_slice %arg3[%mul3A_198] : memref<320000xi32, #tpu.memory_space<hbm>> -> memref<128xi32, #tpu.memory_space<hbm>>
        tpu.wait_dma2 semaphore(%arg21 : memref<!tpu.dma_semaphore, #tpu.memory_space<semaphore_mem>>) src(%dma_wait3A_200 : memref<128xi32, #tpu.memory_space<hbm>>) dst(%arg8 : memref<128xi32, #tpu.memory_space<vmem>>)
        %dma_start3A_201 = arith.constant 0 : i32
        %dma_start3A_202 = arith.constant 0 : i32
        %dma_start3A_203 = tpu.memref_slice %arg2[%dma_start3A_201, %dma_start3A_202] : memref<10000x128xf32, #tpu.memory_space<hbm>> -> memref<10000x128xf32, #tpu.memory_space<hbm>>
        tpu.enqueue_indirect_dma source(%dma_start3A_203 : memref<10000x128xf32, #tpu.memory_space<hbm>>) target(%arg14 : memref<128x128xf32, #tpu.memory_space<vmem>>) offsets(%arg8 : memref<128xi32, #tpu.memory_space<vmem>>) semaphore(%arg17 : memref<!tpu.dma_semaphore, #tpu.memory_space<semaphore_mem>>)
      } else {
      }
      %eq3A_146 = arith.constant 77 : i32
      %eq3A_147 = arith.cmpi eq, %scan3A_71, %eq3A_146 : i32
      %lt3A_148 = arith.constant 4 : i32
      %lt3A_149 = arith.cmpi slt, %arg1, %lt3A_148 : i32
      %and3A = arith.andi %eq3A_147, %lt3A_149 : i1
      %convert_element_type3A_150 = arith.extui %and3A : i1 to i32
      %cond3A_151 = arith.constant 0 : i32
      %cond3A_152 = arith.cmpi ne, %convert_element_type3A_150, %cond3A_151 : i32
      scf.if %cond3A_152 {
        %mul3A_175 = arith.constant 2 : i32
        %mul3A_176 = arith.muli %mul3A_175, %scan3A_71 : i32
        %add3A_177 = arith.constant 2 : i32
        %add3A_178 = arith.addi %mul3A_176, %add3A_177 : i32
        %eq3A_179 = arith.constant 0 : i32
        %eq3A_180 = arith.cmpi eq, %arg0, %eq3A_179 : i32
        %convert_element_type3A_181 = arith.extui %eq3A_180 : i1 to i32
        %cond3A_182 = arith.constant 0 : i32
        %cond3A_183 = arith.cmpi ne, %convert_element_type3A_181, %cond3A_182 : i32
        scf.if %cond3A_183 {
          %add3A_204 = arith.addi %add3A, %add3A_178 : i32
          %mul3A_205 = arith.constant 128 : i32
          %mul3A_206 = arith.muli %add3A_204, %mul3A_205 : i32
          %dma_start3A_207 = tpu.memref_slice %arg3[%mul3A_206] : memref<320000xi32, #tpu.memory_space<hbm>> -> memref<128xi32, #tpu.memory_space<hbm>>
          %dma_start3A_208 = tpu.memref_slice %arg3[%mul3A_206] : memref<320000xi32, #tpu.memory_space<hbm>> -> memref<128xi32, #tpu.memory_space<hbm>>
          tpu.enqueue_dma source(%dma_start3A_208 : memref<128xi32, #tpu.memory_space<hbm>>) target(%arg8 : memref<128xi32, #tpu.memory_space<vmem>>) target_semaphore(%arg21 : memref<!tpu.dma_semaphore, #tpu.memory_space<semaphore_mem>>)
          %add3A_209 = arith.addi %add3A, %add3A_178 : i32
          %mul3A_210 = arith.constant 128 : i32
          %mul3A_211 = arith.muli %add3A_209, %mul3A_210 : i32
          %dma_start3A_212 = tpu.memref_slice %arg4[%mul3A_211] : memref<320000xi32, #tpu.memory_space<hbm>> -> memref<128xi32, #tpu.memory_space<hbm>>
          %dma_start3A_213 = tpu.memref_slice %arg4[%mul3A_211] : memref<320000xi32, #tpu.memory_space<hbm>> -> memref<128xi32, #tpu.memory_space<hbm>>
          tpu.enqueue_dma source(%dma_start3A_213 : memref<128xi32, #tpu.memory_space<hbm>>) target(%arg10 : memref<128xi32, #tpu.memory_space<vmem>>) target_semaphore(%arg23 : memref<!tpu.dma_semaphore, #tpu.memory_space<semaphore_mem>>)
        } else {
        }
        %eq3A_184 = arith.constant 1 : i32
        %eq3A_185 = arith.cmpi eq, %arg0, %eq3A_184 : i32
        %convert_element_type3A_186 = arith.extui %eq3A_185 : i1 to i32
        %cond3A_187 = arith.constant 0 : i32
        %cond3A_188 = arith.cmpi ne, %convert_element_type3A_186, %cond3A_187 : i32
        scf.if %cond3A_188 {
          %add3A_204 = arith.addi %add3A, %add3A_178 : i32
          %mul3A_205 = arith.constant 128 : i32
          %mul3A_206 = arith.muli %add3A_204, %mul3A_205 : i32
          %dma_start3A_207 = tpu.memref_slice %arg4[%mul3A_206] : memref<320000xi32, #tpu.memory_space<hbm>> -> memref<128xi32, #tpu.memory_space<hbm>>
          %dma_start3A_208 = tpu.memref_slice %arg4[%mul3A_206] : memref<320000xi32, #tpu.memory_space<hbm>> -> memref<128xi32, #tpu.memory_space<hbm>>
          tpu.enqueue_dma source(%dma_start3A_208 : memref<128xi32, #tpu.memory_space<hbm>>) target(%arg8 : memref<128xi32, #tpu.memory_space<vmem>>) target_semaphore(%arg21 : memref<!tpu.dma_semaphore, #tpu.memory_space<semaphore_mem>>)
          %add3A_209 = arith.addi %add3A, %add3A_178 : i32
          %mul3A_210 = arith.constant 128 : i32
          %mul3A_211 = arith.muli %add3A_209, %mul3A_210 : i32
          %dma_start3A_212 = tpu.memref_slice %arg3[%mul3A_211] : memref<320000xi32, #tpu.memory_space<hbm>> -> memref<128xi32, #tpu.memory_space<hbm>>
          %dma_start3A_213 = tpu.memref_slice %arg3[%mul3A_211] : memref<320000xi32, #tpu.memory_space<hbm>> -> memref<128xi32, #tpu.memory_space<hbm>>
          tpu.enqueue_dma source(%dma_start3A_213 : memref<128xi32, #tpu.memory_space<hbm>>) target(%arg10 : memref<128xi32, #tpu.memory_space<vmem>>) target_semaphore(%arg23 : memref<!tpu.dma_semaphore, #tpu.memory_space<semaphore_mem>>)
        } else {
        }
        %add3A_189 = arith.addi %add3A, %add3A_178 : i32
        %mul3A_190 = arith.constant 16 : i32
        %mul3A_191 = arith.muli %add3A_189, %mul3A_190 : i32
        %dma_start3A_192 = arith.constant 0 : i32
        %dma_start3A_193 = tpu.memref_slice %arg5[%mul3A_191, %dma_start3A_192] : memref<40000x128xf32, #tpu.memory_space<hbm>> -> memref<16x128xf32, #tpu.memory_space<hbm>>
        %dma_start3A_194 = arith.constant 0 : i32
        %dma_start3A_195 = tpu.memref_slice %arg5[%mul3A_191, %dma_start3A_194] : memref<40000x128xf32, #tpu.memory_space<hbm>> -> memref<16x128xf32, #tpu.memory_space<hbm>>
        tpu.enqueue_dma source(%dma_start3A_195 : memref<16x128xf32, #tpu.memory_space<hbm>>) target(%arg12 : memref<16x128xf32, #tpu.memory_space<vmem>>) target_semaphore(%arg19 : memref<!tpu.dma_semaphore, #tpu.memory_space<semaphore_mem>>)
        %add3A_196 = arith.addi %add3A, %add3A_178 : i32
        %mul3A_197 = arith.constant 128 : i32
        %mul3A_198 = arith.muli %add3A_196, %mul3A_197 : i32
        %dma_wait3A_199 = tpu.memref_slice %arg3[%mul3A_198] : memref<320000xi32, #tpu.memory_space<hbm>> -> memref<128xi32, #tpu.memory_space<hbm>>
        %dma_wait3A_200 = tpu.memref_slice %arg3[%mul3A_198] : memref<320000xi32, #tpu.memory_space<hbm>> -> memref<128xi32, #tpu.memory_space<hbm>>
        tpu.wait_dma2 semaphore(%arg21 : memref<!tpu.dma_semaphore, #tpu.memory_space<semaphore_mem>>) src(%dma_wait3A_200 : memref<128xi32, #tpu.memory_space<hbm>>) dst(%arg8 : memref<128xi32, #tpu.memory_space<vmem>>)
        %dma_start3A_201 = arith.constant 0 : i32
        %dma_start3A_202 = arith.constant 0 : i32
        %dma_start3A_203 = tpu.memref_slice %arg2[%dma_start3A_201, %dma_start3A_202] : memref<10000x128xf32, #tpu.memory_space<hbm>> -> memref<10000x128xf32, #tpu.memory_space<hbm>>
        tpu.enqueue_indirect_dma source(%dma_start3A_203 : memref<10000x128xf32, #tpu.memory_space<hbm>>) target(%arg14 : memref<128x128xf32, #tpu.memory_space<vmem>>) offsets(%arg8 : memref<128xi32, #tpu.memory_space<vmem>>) semaphore(%arg17 : memref<!tpu.dma_semaphore, #tpu.memory_space<semaphore_mem>>)
      } else {
      }
      %dma_wait3A_153 = arith.constant 0 : i32
      %dma_wait3A_154 = arith.constant 0 : i32
      %dma_wait3A_155 = tpu.memref_slice %arg2[%dma_wait3A_153, %dma_wait3A_154] : memref<10000x128xf32, #tpu.memory_space<hbm>> -> memref<10000x128xf32, #tpu.memory_space<hbm>>
      tpu.wait_indirect_dma semaphore(%arg18 : memref<!tpu.dma_semaphore, #tpu.memory_space<semaphore_mem>>) src(%dma_wait3A_155 : memref<10000x128xf32, #tpu.memory_space<hbm>>) dst(%arg15 : memref<128x128xf32, #tpu.memory_space<vmem>>)
      %add3A_156 = arith.addi %add3A, %add3A_133 : i32
      %mul3A_157 = arith.constant 16 : i32
      %mul3A_158 = arith.muli %add3A_156, %mul3A_157 : i32
      %dma_wait3A_159 = arith.constant 0 : i32
      %dma_wait3A_160 = tpu.memref_slice %arg5[%mul3A_158, %dma_wait3A_159] : memref<40000x128xf32, #tpu.memory_space<hbm>> -> memref<16x128xf32, #tpu.memory_space<hbm>>
      %dma_wait3A_161 = arith.constant 0 : i32
      %dma_wait3A_162 = tpu.memref_slice %arg5[%mul3A_158, %dma_wait3A_161] : memref<40000x128xf32, #tpu.memory_space<hbm>> -> memref<16x128xf32, #tpu.memory_space<hbm>>
      tpu.wait_dma2 semaphore(%arg20 : memref<!tpu.dma_semaphore, #tpu.memory_space<semaphore_mem>>) src(%dma_wait3A_162 : memref<16x128xf32, #tpu.memory_space<hbm>>) dst(%arg13 : memref<16x128xf32, #tpu.memory_space<vmem>>)
      %parallel_loop3A_163 = arith.constant 0 : i32
      %parallel_loop3A_164 = arith.constant 128 : i32
      %parallel_loop3A_165 = arith.constant 1 : i32
      scf.for %parallel_loop3A_175 = %parallel_loop3A_163 to %parallel_loop3A_164 step %parallel_loop3A_165  : i32 {
        %parallel_loop3A_176 = arith.constant 8 : i32
        %parallel_loop3A_177 = arith.divsi %parallel_loop3A_175, %parallel_loop3A_176 : i32
        %parallel_loop3A_178 = arith.constant 0 : i32
        %parallel_loop3A_179 = arith.cmpi sgt, %parallel_loop3A_175, %parallel_loop3A_178 : i32
        %parallel_loop3A_180 = arith.extui %parallel_loop3A_179 : i1 to i32
        %parallel_loop3A_181 = arith.constant 0 : i32
        %parallel_loop3A_182 = arith.cmpi slt, %parallel_loop3A_175, %parallel_loop3A_181 : i32
        %parallel_loop3A_183 = arith.extui %parallel_loop3A_182 : i1 to i32
        %parallel_loop3A_184 = arith.subi %parallel_loop3A_180, %parallel_loop3A_183 : i32
        %parallel_loop3A_185 = arith.constant 0 : i32
        %parallel_loop3A_186 = arith.cmpi sgt, %parallel_loop3A_176, %parallel_loop3A_185 : i32
        %parallel_loop3A_187 = arith.extui %parallel_loop3A_186 : i1 to i32
        %parallel_loop3A_188 = arith.constant 0 : i32
        %parallel_loop3A_189 = arith.cmpi slt, %parallel_loop3A_176, %parallel_loop3A_188 : i32
        %parallel_loop3A_190 = arith.extui %parallel_loop3A_189 : i1 to i32
        %parallel_loop3A_191 = arith.subi %parallel_loop3A_187, %parallel_loop3A_190 : i32
        %parallel_loop3A_192 = arith.cmpi ne, %parallel_loop3A_184, %parallel_loop3A_191 : i32
        %parallel_loop3A_193 = arith.remsi %parallel_loop3A_175, %parallel_loop3A_176 : i32
        %parallel_loop3A_194 = arith.constant 0 : i32
        %parallel_loop3A_195 = arith.cmpi ne, %parallel_loop3A_193, %parallel_loop3A_194 : i32
        %parallel_loop3A_196 = arith.andi %parallel_loop3A_192, %parallel_loop3A_195 : i1
        %parallel_loop3A_197 = arith.constant 1 : i32
        %parallel_loop3A_198 = arith.subi %parallel_loop3A_177, %parallel_loop3A_197 : i32
        %parallel_loop3A_199 = arith.select %parallel_loop3A_196, %parallel_loop3A_198, %parallel_loop3A_177 : i32
        %parallel_loop3A_200 = arith.constant 8 : i32
        %parallel_loop3A_201 = arith.constant 0 : i32
        %parallel_loop3A_202 = arith.cmpi eq, %parallel_loop3A_200, %parallel_loop3A_201 : i32
        %parallel_loop3A_203 = arith.constant 1 : i32
        %parallel_loop3A_204 = arith.select %parallel_loop3A_202, %parallel_loop3A_203, %parallel_loop3A_200 : i32
        %parallel_loop3A_205 = arith.remsi %parallel_loop3A_175, %parallel_loop3A_204 : i32
        %parallel_loop3A_206 = arith.constant 0 : i32
        %parallel_loop3A_207 = arith.cmpi ne, %parallel_loop3A_205, %parallel_loop3A_206 : i32
        %parallel_loop3A_208 = arith.constant 0 : i32
        %parallel_loop3A_209 = arith.cmpi slt, %parallel_loop3A_205, %parallel_loop3A_208 : i32
        %parallel_loop3A_210 = arith.constant 0 : i32
        %parallel_loop3A_211 = arith.cmpi slt, %parallel_loop3A_204, %parallel_loop3A_210 : i32
        %parallel_loop3A_212 = arith.xori %parallel_loop3A_209, %parallel_loop3A_211 : i1
        %parallel_loop3A_213 = arith.andi %parallel_loop3A_212, %parallel_loop3A_207 : i1
        %parallel_loop3A_214 = arith.addi %parallel_loop3A_205, %parallel_loop3A_204 : i32
        %parallel_loop3A_215 = arith.select %parallel_loop3A_213, %parallel_loop3A_214, %parallel_loop3A_205 : i32
        %parallel_loop3A_216 = arith.constant 16 : i32
        %parallel_loop3A_217 = arith.muli %parallel_loop3A_215, %parallel_loop3A_216 : i32
        %parallel_loop3A_218 = arith.index_cast %parallel_loop3A_199 : i32 to index
        %parallel_loop3A_219 = arith.index_cast %parallel_loop3A_217 : i32 to index
        %parallel_loop3A_220 = tpu.vector_load %arg13[%parallel_loop3A_218, %parallel_loop3A_219] {strides = array<i32>} : memref<16x128xf32, #tpu.memory_space<vmem>>, vector<1x16xf32>,
        %parallel_loop3A_221 = vector.shape_cast %parallel_loop3A_220 : vector<1x16xf32> to vector<16xf32>
        %parallel_loop3A_222 = arith.index_cast %parallel_loop3A_175 : i32 to index
        %parallel_loop3A_223 = arith.constant 0 : index
        %parallel_loop3A_224 = tpu.vector_load %arg15[%parallel_loop3A_222, %parallel_loop3A_223] {strides = array<i32>} : memref<128x128xf32, #tpu.memory_space<vmem>>, vector<1x16xf32>,
        %parallel_loop3A_225 = vector.shape_cast %parallel_loop3A_224 : vector<1x16xf32> to vector<16xf32>
        %parallel_loop3A_226 = arith.mulf %parallel_loop3A_225, %parallel_loop3A_221 : vector<16xf32>
        %parallel_loop3A_227 = arith.index_cast %parallel_loop3A_175 : i32 to index
        %parallel_loop3A_228 = arith.constant 0 : index
        %parallel_loop3A_229 = tpu.vector_load %arg15[%parallel_loop3A_227, %parallel_loop3A_228] {strides = array<i32>} : memref<128x128xf32, #tpu.memory_space<vmem>>, vector<1x16xf32>,
        %parallel_loop3A_230 = vector.shape_cast %parallel_loop3A_229 : vector<1x16xf32> to vector<16xf32>
        %parallel_loop3A_231 = vector.shape_cast %parallel_loop3A_226 : vector<16xf32> to vector<1x16xf32>
        tpu.vector_store %arg15[%parallel_loop3A_227, %parallel_loop3A_228], %parallel_loop3A_231 {strides = array<i32>} : memref<128x128xf32, #tpu.memory_space<vmem>>, vector<1x16xf32>,
        %parallel_loop3A_232 = arith.index_cast %parallel_loop3A_175 : i32 to index
        %parallel_loop3A_233 = arith.constant 16 : index
        %parallel_loop3A_234 = tpu.vector_load %arg15[%parallel_loop3A_232, %parallel_loop3A_233] {strides = array<i32>} : memref<128x128xf32, #tpu.memory_space<vmem>>, vector<1x16xf32>,
        %parallel_loop3A_235 = vector.shape_cast %parallel_loop3A_234 : vector<1x16xf32> to vector<16xf32>
        %parallel_loop3A_236 = arith.mulf %parallel_loop3A_235, %parallel_loop3A_221 : vector<16xf32>
        %parallel_loop3A_237 = arith.index_cast %parallel_loop3A_175 : i32 to index
        %parallel_loop3A_238 = arith.constant 16 : index
        %parallel_loop3A_239 = tpu.vector_load %arg15[%parallel_loop3A_237, %parallel_loop3A_238] {strides = array<i32>} : memref<128x128xf32, #tpu.memory_space<vmem>>, vector<1x16xf32>,
        %parallel_loop3A_240 = vector.shape_cast %parallel_loop3A_239 : vector<1x16xf32> to vector<16xf32>
        %parallel_loop3A_241 = vector.shape_cast %parallel_loop3A_236 : vector<16xf32> to vector<1x16xf32>
        tpu.vector_store %arg15[%parallel_loop3A_237, %parallel_loop3A_238], %parallel_loop3A_241 {strides = array<i32>} : memref<128x128xf32, #tpu.memory_space<vmem>>, vector<1x16xf32>,
        %parallel_loop3A_242 = arith.index_cast %parallel_loop3A_175 : i32 to index
        %parallel_loop3A_243 = arith.constant 32 : index
        %parallel_loop3A_244 = tpu.vector_load %arg15[%parallel_loop3A_242, %parallel_loop3A_243] {strides = array<i32>} : memref<128x128xf32, #tpu.memory_space<vmem>>, vector<1x16xf32>,
        %parallel_loop3A_245 = vector.shape_cast %parallel_loop3A_244 : vector<1x16xf32> to vector<16xf32>
        %parallel_loop3A_246 = arith.mulf %parallel_loop3A_245, %parallel_loop3A_221 : vector<16xf32>
        %parallel_loop3A_247 = arith.index_cast %parallel_loop3A_175 : i32 to index
        %parallel_loop3A_248 = arith.constant 32 : index
        %parallel_loop3A_249 = tpu.vector_load %arg15[%parallel_loop3A_247, %parallel_loop3A_248] {strides = array<i32>} : memref<128x128xf32, #tpu.memory_space<vmem>>, vector<1x16xf32>,
        %parallel_loop3A_250 = vector.shape_cast %parallel_loop3A_249 : vector<1x16xf32> to vector<16xf32>
        %parallel_loop3A_251 = vector.shape_cast %parallel_loop3A_246 : vector<16xf32> to vector<1x16xf32>
        tpu.vector_store %arg15[%parallel_loop3A_247, %parallel_loop3A_248], %parallel_loop3A_251 {strides = array<i32>} : memref<128x128xf32, #tpu.memory_space<vmem>>, vector<1x16xf32>,
        %parallel_loop3A_252 = arith.index_cast %parallel_loop3A_175 : i32 to index
        %parallel_loop3A_253 = arith.constant 48 : index
        %parallel_loop3A_254 = tpu.vector_load %arg15[%parallel_loop3A_252, %parallel_loop3A_253] {strides = array<i32>} : memref<128x128xf32, #tpu.memory_space<vmem>>, vector<1x16xf32>,
        %parallel_loop3A_255 = vector.shape_cast %parallel_loop3A_254 : vector<1x16xf32> to vector<16xf32>
        %parallel_loop3A_256 = arith.mulf %parallel_loop3A_255, %parallel_loop3A_221 : vector<16xf32>
        %parallel_loop3A_257 = arith.index_cast %parallel_loop3A_175 : i32 to index
        %parallel_loop3A_258 = arith.constant 48 : index
        %parallel_loop3A_259 = tpu.vector_load %arg15[%parallel_loop3A_257, %parallel_loop3A_258] {strides = array<i32>} : memref<128x128xf32, #tpu.memory_space<vmem>>, vector<1x16xf32>,
        %parallel_loop3A_260 = vector.shape_cast %parallel_loop3A_259 : vector<1x16xf32> to vector<16xf32>
        %parallel_loop3A_261 = vector.shape_cast %parallel_loop3A_256 : vector<16xf32> to vector<1x16xf32>
        tpu.vector_store %arg15[%parallel_loop3A_257, %parallel_loop3A_258], %parallel_loop3A_261 {strides = array<i32>} : memref<128x128xf32, #tpu.memory_space<vmem>>, vector<1x16xf32>,
        %parallel_loop3A_262 = arith.index_cast %parallel_loop3A_175 : i32 to index
        %parallel_loop3A_263 = arith.constant 64 : index
        %parallel_loop3A_264 = tpu.vector_load %arg15[%parallel_loop3A_262, %parallel_loop3A_263] {strides = array<i32>} : memref<128x128xf32, #tpu.memory_space<vmem>>, vector<1x16xf32>,
        %parallel_loop3A_265 = vector.shape_cast %parallel_loop3A_264 : vector<1x16xf32> to vector<16xf32>
        %parallel_loop3A_266 = arith.mulf %parallel_loop3A_265, %parallel_loop3A_221 : vector<16xf32>
        %parallel_loop3A_267 = arith.index_cast %parallel_loop3A_175 : i32 to index
        %parallel_loop3A_268 = arith.constant 64 : index
        %parallel_loop3A_269 = tpu.vector_load %arg15[%parallel_loop3A_267, %parallel_loop3A_268] {strides = array<i32>} : memref<128x128xf32, #tpu.memory_space<vmem>>, vector<1x16xf32>,
        %parallel_loop3A_270 = vector.shape_cast %parallel_loop3A_269 : vector<1x16xf32> to vector<16xf32>
        %parallel_loop3A_271 = vector.shape_cast %parallel_loop3A_266 : vector<16xf32> to vector<1x16xf32>
        tpu.vector_store %arg15[%parallel_loop3A_267, %parallel_loop3A_268], %parallel_loop3A_271 {strides = array<i32>} : memref<128x128xf32, #tpu.memory_space<vmem>>, vector<1x16xf32>,
        %parallel_loop3A_272 = arith.index_cast %parallel_loop3A_175 : i32 to index
        %parallel_loop3A_273 = arith.constant 80 : index
        %parallel_loop3A_274 = tpu.vector_load %arg15[%parallel_loop3A_272, %parallel_loop3A_273] {strides = array<i32>} : memref<128x128xf32, #tpu.memory_space<vmem>>, vector<1x16xf32>,
        %parallel_loop3A_275 = vector.shape_cast %parallel_loop3A_274 : vector<1x16xf32> to vector<16xf32>
        %parallel_loop3A_276 = arith.mulf %parallel_loop3A_275, %parallel_loop3A_221 : vector<16xf32>
        %parallel_loop3A_277 = arith.index_cast %parallel_loop3A_175 : i32 to index
        %parallel_loop3A_278 = arith.constant 80 : index
        %parallel_loop3A_279 = tpu.vector_load %arg15[%parallel_loop3A_277, %parallel_loop3A_278] {strides = array<i32>} : memref<128x128xf32, #tpu.memory_space<vmem>>, vector<1x16xf32>,
        %parallel_loop3A_280 = vector.shape_cast %parallel_loop3A_279 : vector<1x16xf32> to vector<16xf32>
        %parallel_loop3A_281 = vector.shape_cast %parallel_loop3A_276 : vector<16xf32> to vector<1x16xf32>
        tpu.vector_store %arg15[%parallel_loop3A_277, %parallel_loop3A_278], %parallel_loop3A_281 {strides = array<i32>} : memref<128x128xf32, #tpu.memory_space<vmem>>, vector<1x16xf32>,
        %parallel_loop3A_282 = arith.index_cast %parallel_loop3A_175 : i32 to index
        %parallel_loop3A_283 = arith.constant 96 : index
        %parallel_loop3A_284 = tpu.vector_load %arg15[%parallel_loop3A_282, %parallel_loop3A_283] {strides = array<i32>} : memref<128x128xf32, #tpu.memory_space<vmem>>, vector<1x16xf32>,
        %parallel_loop3A_285 = vector.shape_cast %parallel_loop3A_284 : vector<1x16xf32> to vector<16xf32>
        %parallel_loop3A_286 = arith.mulf %parallel_loop3A_285, %parallel_loop3A_221 : vector<16xf32>
        %parallel_loop3A_287 = arith.index_cast %parallel_loop3A_175 : i32 to index
        %parallel_loop3A_288 = arith.constant 96 : index
        %parallel_loop3A_289 = tpu.vector_load %arg15[%parallel_loop3A_287, %parallel_loop3A_288] {strides = array<i32>} : memref<128x128xf32, #tpu.memory_space<vmem>>, vector<1x16xf32>,
        %parallel_loop3A_290 = vector.shape_cast %parallel_loop3A_289 : vector<1x16xf32> to vector<16xf32>
        %parallel_loop3A_291 = vector.shape_cast %parallel_loop3A_286 : vector<16xf32> to vector<1x16xf32>
        tpu.vector_store %arg15[%parallel_loop3A_287, %parallel_loop3A_288], %parallel_loop3A_291 {strides = array<i32>} : memref<128x128xf32, #tpu.memory_space<vmem>>, vector<1x16xf32>,
        %parallel_loop3A_292 = arith.index_cast %parallel_loop3A_175 : i32 to index
        %parallel_loop3A_293 = arith.constant 112 : index
        %parallel_loop3A_294 = tpu.vector_load %arg15[%parallel_loop3A_292, %parallel_loop3A_293] {strides = array<i32>} : memref<128x128xf32, #tpu.memory_space<vmem>>, vector<1x16xf32>,
        %parallel_loop3A_295 = vector.shape_cast %parallel_loop3A_294 : vector<1x16xf32> to vector<16xf32>
        %parallel_loop3A_296 = arith.mulf %parallel_loop3A_295, %parallel_loop3A_221 : vector<16xf32>
        %parallel_loop3A_297 = arith.index_cast %parallel_loop3A_175 : i32 to index
        %parallel_loop3A_298 = arith.constant 112 : index
        %parallel_loop3A_299 = tpu.vector_load %arg15[%parallel_loop3A_297, %parallel_loop3A_298] {strides = array<i32>} : memref<128x128xf32, #tpu.memory_space<vmem>>, vector<1x16xf32>,
        %parallel_loop3A_300 = vector.shape_cast %parallel_loop3A_299 : vector<1x16xf32> to vector<16xf32>
        %parallel_loop3A_301 = vector.shape_cast %parallel_loop3A_296 : vector<16xf32> to vector<1x16xf32>
        tpu.vector_store %arg15[%parallel_loop3A_297, %parallel_loop3A_298], %parallel_loop3A_301 {strides = array<i32>} : memref<128x128xf32, #tpu.memory_space<vmem>>, vector<1x16xf32>,
      } {sc.loop_unroll_factor = 2 : i64, sc.parallel_access}
      %add3A_166 = arith.addi %add3A, %add3A_133 : i32
      %mul3A_167 = arith.constant 128 : i32
      %mul3A_168 = arith.muli %add3A_166, %mul3A_167 : i32
      %dma_wait3A_169 = tpu.memref_slice %arg4[%mul3A_168] : memref<320000xi32, #tpu.memory_space<hbm>> -> memref<128xi32, #tpu.memory_space<hbm>>
      %dma_wait3A_170 = tpu.memref_slice %arg4[%mul3A_168] : memref<320000xi32, #tpu.memory_space<hbm>> -> memref<128xi32, #tpu.memory_space<hbm>>
      tpu.wait_dma2 semaphore(%arg24 : memref<!tpu.dma_semaphore, #tpu.memory_space<semaphore_mem>>) src(%dma_wait3A_170 : memref<128xi32, #tpu.memory_space<hbm>>) dst(%arg11 : memref<128xi32, #tpu.memory_space<vmem>>)
      %dma_start3A_171 = arith.constant 0 : i32
      %dma_start3A_172 = arith.constant 0 : i32
      %dma_start3A_173 = tpu.memref_slice %arg16[%dma_start3A_171, %dma_start3A_172] : memref<10000x128xf32, #tpu.memory_space<vmem_shared>> -> memref<10000x128xf32, #tpu.memory_space<vmem_shared>>
      tpu.enqueue_indirect_dma source(%arg15 : memref<128x128xf32, #tpu.memory_space<vmem>>) target(%dma_start3A_173 : memref<10000x128xf32, #tpu.memory_space<vmem_shared>>) offsets(%arg11 : memref<128xi32, #tpu.memory_space<vmem>>) semaphore(%arg26 : memref<!tpu.dma_semaphore, #tpu.memory_space<semaphore_mem>>) {add = true}
      %scan3A_174 = arith.constant 0 : i32
      scf.yield %scan3A_174 : i32
    }
    %scan3A_50 = arith.constant 78 : i32
    %dma_wait3A_51 = arith.constant 0 : i32
    %dma_wait3A_52 = arith.constant 0 : i32
    %dma_wait3A_53 = tpu.memref_slice %arg16[%dma_wait3A_51, %dma_wait3A_52] : memref<10000x128xf32, #tpu.memory_space<vmem_shared>> -> memref<10000x128xf32, #tpu.memory_space<vmem_shared>>
    tpu.wait_indirect_dma semaphore(%arg26 : memref<!tpu.dma_semaphore, #tpu.memory_space<semaphore_mem>>) src(%arg15 : memref<128x128xf32, #tpu.memory_space<vmem>>) dst(%dma_wait3A_53 : memref<10000x128xf32, #tpu.memory_space<vmem_shared>>)
    %lt3A = arith.constant 4 : i32
    %lt3A_54 = arith.cmpi slt, %arg1, %lt3A : i32
    %convert_element_type3A_55 = arith.extui %lt3A_54 : i1 to i32
    %cond3A_56 = arith.constant 0 : i32
    %cond3A_57 = arith.cmpi ne, %convert_element_type3A_55, %cond3A_56 : i32
    scf.if %cond3A_57 {
      %dma_wait3A_71 = arith.constant 0 : i32
      %dma_wait3A_72 = arith.constant 0 : i32
      %dma_wait3A_73 = tpu.memref_slice %arg2[%dma_wait3A_71, %dma_wait3A_72] : memref<10000x128xf32, #tpu.memory_space<hbm>> -> memref<10000x128xf32, #tpu.memory_space<hbm>>
      tpu.wait_indirect_dma semaphore(%arg17 : memref<!tpu.dma_semaphore, #tpu.memory_space<semaphore_mem>>) src(%dma_wait3A_73 : memref<10000x128xf32, #tpu.memory_space<hbm>>) dst(%arg14 : memref<128x128xf32, #tpu.memory_space<vmem>>)
      %add3A_74 = arith.constant 156 : i32
      %add3A_75 = arith.addi %add3A, %add3A_74 : i32
      %mul3A_76 = arith.constant 16 : i32
      %mul3A_77 = arith.muli %add3A_75, %mul3A_76 : i32
      %dma_wait3A_78 = arith.constant 0 : i32
      %dma_wait3A_79 = tpu.memref_slice %arg5[%mul3A_77, %dma_wait3A_78] : memref<40000x128xf32, #tpu.memory_space<hbm>> -> memref<16x128xf32, #tpu.memory_space<hbm>>
      %dma_wait3A_80 = arith.constant 0 : i32
      %dma_wait3A_81 = tpu.memref_slice %arg5[%mul3A_77, %dma_wait3A_80] : memref<40000x128xf32, #tpu.memory_space<hbm>> -> memref<16x128xf32, #tpu.memory_space<hbm>>
      tpu.wait_dma2 semaphore(%arg19 : memref<!tpu.dma_semaphore, #tpu.memory_space<semaphore_mem>>) src(%dma_wait3A_81 : memref<16x128xf32, #tpu.memory_space<hbm>>) dst(%arg12 : memref<16x128xf32, #tpu.memory_space<vmem>>)
      %parallel_loop3A = arith.constant 0 : i32
      %parallel_loop3A_82 = arith.constant 128 : i32
      %parallel_loop3A_83 = arith.constant 1 : i32
      scf.for %parallel_loop3A_96 = %parallel_loop3A to %parallel_loop3A_82 step %parallel_loop3A_83  : i32 {
        %parallel_loop3A_97 = arith.constant 8 : i32
        %parallel_loop3A_98 = arith.divsi %parallel_loop3A_96, %parallel_loop3A_97 : i32
        %parallel_loop3A_99 = arith.constant 0 : i32
        %parallel_loop3A_100 = arith.cmpi sgt, %parallel_loop3A_96, %parallel_loop3A_99 : i32
        %parallel_loop3A_101 = arith.extui %parallel_loop3A_100 : i1 to i32
        %parallel_loop3A_102 = arith.constant 0 : i32
        %parallel_loop3A_103 = arith.cmpi slt, %parallel_loop3A_96, %parallel_loop3A_102 : i32
        %parallel_loop3A_104 = arith.extui %parallel_loop3A_103 : i1 to i32
        %parallel_loop3A_105 = arith.subi %parallel_loop3A_101, %parallel_loop3A_104 : i32
        %parallel_loop3A_106 = arith.constant 0 : i32
        %parallel_loop3A_107 = arith.cmpi sgt, %parallel_loop3A_97, %parallel_loop3A_106 : i32
        %parallel_loop3A_108 = arith.extui %parallel_loop3A_107 : i1 to i32
        %parallel_loop3A_109 = arith.constant 0 : i32
        %parallel_loop3A_110 = arith.cmpi slt, %parallel_loop3A_97, %parallel_loop3A_109 : i32
        %parallel_loop3A_111 = arith.extui %parallel_loop3A_110 : i1 to i32
        %parallel_loop3A_112 = arith.subi %parallel_loop3A_108, %parallel_loop3A_111 : i32
        %parallel_loop3A_113 = arith.cmpi ne, %parallel_loop3A_105, %parallel_loop3A_112 : i32
        %parallel_loop3A_114 = arith.remsi %parallel_loop3A_96, %parallel_loop3A_97 : i32
        %parallel_loop3A_115 = arith.constant 0 : i32
        %parallel_loop3A_116 = arith.cmpi ne, %parallel_loop3A_114, %parallel_loop3A_115 : i32
        %parallel_loop3A_117 = arith.andi %parallel_loop3A_113, %parallel_loop3A_116 : i1
        %parallel_loop3A_118 = arith.constant 1 : i32
        %parallel_loop3A_119 = arith.subi %parallel_loop3A_98, %parallel_loop3A_118 : i32
        %parallel_loop3A_120 = arith.select %parallel_loop3A_117, %parallel_loop3A_119, %parallel_loop3A_98 : i32
        %parallel_loop3A_121 = arith.constant 8 : i32
        %parallel_loop3A_122 = arith.constant 0 : i32
        %parallel_loop3A_123 = arith.cmpi eq, %parallel_loop3A_121, %parallel_loop3A_122 : i32
        %parallel_loop3A_124 = arith.constant 1 : i32
        %parallel_loop3A_125 = arith.select %parallel_loop3A_123, %parallel_loop3A_124, %parallel_loop3A_121 : i32
        %parallel_loop3A_126 = arith.remsi %parallel_loop3A_96, %parallel_loop3A_125 : i32
        %parallel_loop3A_127 = arith.constant 0 : i32
        %parallel_loop3A_128 = arith.cmpi ne, %parallel_loop3A_126, %parallel_loop3A_127 : i32
        %parallel_loop3A_129 = arith.constant 0 : i32
        %parallel_loop3A_130 = arith.cmpi slt, %parallel_loop3A_126, %parallel_loop3A_129 : i32
        %parallel_loop3A_131 = arith.constant 0 : i32
        %parallel_loop3A_132 = arith.cmpi slt, %parallel_loop3A_125, %parallel_loop3A_131 : i32
        %parallel_loop3A_133 = arith.xori %parallel_loop3A_130, %parallel_loop3A_132 : i1
        %parallel_loop3A_134 = arith.andi %parallel_loop3A_133, %parallel_loop3A_128 : i1
        %parallel_loop3A_135 = arith.addi %parallel_loop3A_126, %parallel_loop3A_125 : i32
        %parallel_loop3A_136 = arith.select %parallel_loop3A_134, %parallel_loop3A_135, %parallel_loop3A_126 : i32
        %parallel_loop3A_137 = arith.constant 16 : i32
        %parallel_loop3A_138 = arith.muli %parallel_loop3A_136, %parallel_loop3A_137 : i32
        %parallel_loop3A_139 = arith.index_cast %parallel_loop3A_120 : i32 to index
        %parallel_loop3A_140 = arith.index_cast %parallel_loop3A_138 : i32 to index
        %parallel_loop3A_141 = tpu.vector_load %arg12[%parallel_loop3A_139, %parallel_loop3A_140] {strides = array<i32>} : memref<16x128xf32, #tpu.memory_space<vmem>>, vector<1x16xf32>,
        %parallel_loop3A_142 = vector.shape_cast %parallel_loop3A_141 : vector<1x16xf32> to vector<16xf32>
        %parallel_loop3A_143 = arith.index_cast %parallel_loop3A_96 : i32 to index
        %parallel_loop3A_144 = arith.constant 0 : index
        %parallel_loop3A_145 = tpu.vector_load %arg14[%parallel_loop3A_143, %parallel_loop3A_144] {strides = array<i32>} : memref<128x128xf32, #tpu.memory_space<vmem>>, vector<1x16xf32>,
        %parallel_loop3A_146 = vector.shape_cast %parallel_loop3A_145 : vector<1x16xf32> to vector<16xf32>
        %parallel_loop3A_147 = arith.mulf %parallel_loop3A_146, %parallel_loop3A_142 : vector<16xf32>
        %parallel_loop3A_148 = arith.index_cast %parallel_loop3A_96 : i32 to index
        %parallel_loop3A_149 = arith.constant 0 : index
        %parallel_loop3A_150 = tpu.vector_load %arg14[%parallel_loop3A_148, %parallel_loop3A_149] {strides = array<i32>} : memref<128x128xf32, #tpu.memory_space<vmem>>, vector<1x16xf32>,
        %parallel_loop3A_151 = vector.shape_cast %parallel_loop3A_150 : vector<1x16xf32> to vector<16xf32>
        %parallel_loop3A_152 = vector.shape_cast %parallel_loop3A_147 : vector<16xf32> to vector<1x16xf32>
        tpu.vector_store %arg14[%parallel_loop3A_148, %parallel_loop3A_149], %parallel_loop3A_152 {strides = array<i32>} : memref<128x128xf32, #tpu.memory_space<vmem>>, vector<1x16xf32>,
        %parallel_loop3A_153 = arith.index_cast %parallel_loop3A_96 : i32 to index
        %parallel_loop3A_154 = arith.constant 16 : index
        %parallel_loop3A_155 = tpu.vector_load %arg14[%parallel_loop3A_153, %parallel_loop3A_154] {strides = array<i32>} : memref<128x128xf32, #tpu.memory_space<vmem>>, vector<1x16xf32>,
        %parallel_loop3A_156 = vector.shape_cast %parallel_loop3A_155 : vector<1x16xf32> to vector<16xf32>
        %parallel_loop3A_157 = arith.mulf %parallel_loop3A_156, %parallel_loop3A_142 : vector<16xf32>
        %parallel_loop3A_158 = arith.index_cast %parallel_loop3A_96 : i32 to index
        %parallel_loop3A_159 = arith.constant 16 : index
        %parallel_loop3A_160 = tpu.vector_load %arg14[%parallel_loop3A_158, %parallel_loop3A_159] {strides = array<i32>} : memref<128x128xf32, #tpu.memory_space<vmem>>, vector<1x16xf32>,
        %parallel_loop3A_161 = vector.shape_cast %parallel_loop3A_160 : vector<1x16xf32> to vector<16xf32>
        %parallel_loop3A_162 = vector.shape_cast %parallel_loop3A_157 : vector<16xf32> to vector<1x16xf32>
        tpu.vector_store %arg14[%parallel_loop3A_158, %parallel_loop3A_159], %parallel_loop3A_162 {strides = array<i32>} : memref<128x128xf32, #tpu.memory_space<vmem>>, vector<1x16xf32>,
        %parallel_loop3A_163 = arith.index_cast %parallel_loop3A_96 : i32 to index
        %parallel_loop3A_164 = arith.constant 32 : index
        %parallel_loop3A_165 = tpu.vector_load %arg14[%parallel_loop3A_163, %parallel_loop3A_164] {strides = array<i32>} : memref<128x128xf32, #tpu.memory_space<vmem>>, vector<1x16xf32>,
        %parallel_loop3A_166 = vector.shape_cast %parallel_loop3A_165 : vector<1x16xf32> to vector<16xf32>
        %parallel_loop3A_167 = arith.mulf %parallel_loop3A_166, %parallel_loop3A_142 : vector<16xf32>
        %parallel_loop3A_168 = arith.index_cast %parallel_loop3A_96 : i32 to index
        %parallel_loop3A_169 = arith.constant 32 : index
        %parallel_loop3A_170 = tpu.vector_load %arg14[%parallel_loop3A_168, %parallel_loop3A_169] {strides = array<i32>} : memref<128x128xf32, #tpu.memory_space<vmem>>, vector<1x16xf32>,
        %parallel_loop3A_171 = vector.shape_cast %parallel_loop3A_170 : vector<1x16xf32> to vector<16xf32>
        %parallel_loop3A_172 = vector.shape_cast %parallel_loop3A_167 : vector<16xf32> to vector<1x16xf32>
        tpu.vector_store %arg14[%parallel_loop3A_168, %parallel_loop3A_169], %parallel_loop3A_172 {strides = array<i32>} : memref<128x128xf32, #tpu.memory_space<vmem>>, vector<1x16xf32>,
        %parallel_loop3A_173 = arith.index_cast %parallel_loop3A_96 : i32 to index
        %parallel_loop3A_174 = arith.constant 48 : index
        %parallel_loop3A_175 = tpu.vector_load %arg14[%parallel_loop3A_173, %parallel_loop3A_174] {strides = array<i32>} : memref<128x128xf32, #tpu.memory_space<vmem>>, vector<1x16xf32>,
        %parallel_loop3A_176 = vector.shape_cast %parallel_loop3A_175 : vector<1x16xf32> to vector<16xf32>
        %parallel_loop3A_177 = arith.mulf %parallel_loop3A_176, %parallel_loop3A_142 : vector<16xf32>
        %parallel_loop3A_178 = arith.index_cast %parallel_loop3A_96 : i32 to index
        %parallel_loop3A_179 = arith.constant 48 : index
        %parallel_loop3A_180 = tpu.vector_load %arg14[%parallel_loop3A_178, %parallel_loop3A_179] {strides = array<i32>} : memref<128x128xf32, #tpu.memory_space<vmem>>, vector<1x16xf32>,
        %parallel_loop3A_181 = vector.shape_cast %parallel_loop3A_180 : vector<1x16xf32> to vector<16xf32>
        %parallel_loop3A_182 = vector.shape_cast %parallel_loop3A_177 : vector<16xf32> to vector<1x16xf32>
        tpu.vector_store %arg14[%parallel_loop3A_178, %parallel_loop3A_179], %parallel_loop3A_182 {strides = array<i32>} : memref<128x128xf32, #tpu.memory_space<vmem>>, vector<1x16xf32>,
        %parallel_loop3A_183 = arith.index_cast %parallel_loop3A_96 : i32 to index
        %parallel_loop3A_184 = arith.constant 64 : index
        %parallel_loop3A_185 = tpu.vector_load %arg14[%parallel_loop3A_183, %parallel_loop3A_184] {strides = array<i32>} : memref<128x128xf32, #tpu.memory_space<vmem>>, vector<1x16xf32>,
        %parallel_loop3A_186 = vector.shape_cast %parallel_loop3A_185 : vector<1x16xf32> to vector<16xf32>
        %parallel_loop3A_187 = arith.mulf %parallel_loop3A_186, %parallel_loop3A_142 : vector<16xf32>
        %parallel_loop3A_188 = arith.index_cast %parallel_loop3A_96 : i32 to index
        %parallel_loop3A_189 = arith.constant 64 : index
        %parallel_loop3A_190 = tpu.vector_load %arg14[%parallel_loop3A_188, %parallel_loop3A_189] {strides = array<i32>} : memref<128x128xf32, #tpu.memory_space<vmem>>, vector<1x16xf32>,
        %parallel_loop3A_191 = vector.shape_cast %parallel_loop3A_190 : vector<1x16xf32> to vector<16xf32>
        %parallel_loop3A_192 = vector.shape_cast %parallel_loop3A_187 : vector<16xf32> to vector<1x16xf32>
        tpu.vector_store %arg14[%parallel_loop3A_188, %parallel_loop3A_189], %parallel_loop3A_192 {strides = array<i32>} : memref<128x128xf32, #tpu.memory_space<vmem>>, vector<1x16xf32>,
        %parallel_loop3A_193 = arith.index_cast %parallel_loop3A_96 : i32 to index
        %parallel_loop3A_194 = arith.constant 80 : index
        %parallel_loop3A_195 = tpu.vector_load %arg14[%parallel_loop3A_193, %parallel_loop3A_194] {strides = array<i32>} : memref<128x128xf32, #tpu.memory_space<vmem>>, vector<1x16xf32>,
        %parallel_loop3A_196 = vector.shape_cast %parallel_loop3A_195 : vector<1x16xf32> to vector<16xf32>
        %parallel_loop3A_197 = arith.mulf %parallel_loop3A_196, %parallel_loop3A_142 : vector<16xf32>
        %parallel_loop3A_198 = arith.index_cast %parallel_loop3A_96 : i32 to index
        %parallel_loop3A_199 = arith.constant 80 : index
        %parallel_loop3A_200 = tpu.vector_load %arg14[%parallel_loop3A_198, %parallel_loop3A_199] {strides = array<i32>} : memref<128x128xf32, #tpu.memory_space<vmem>>, vector<1x16xf32>,
        %parallel_loop3A_201 = vector.shape_cast %parallel_loop3A_200 : vector<1x16xf32> to vector<16xf32>
        %parallel_loop3A_202 = vector.shape_cast %parallel_loop3A_197 : vector<16xf32> to vector<1x16xf32>
        tpu.vector_store %arg14[%parallel_loop3A_198, %parallel_loop3A_199], %parallel_loop3A_202 {strides = array<i32>} : memref<128x128xf32, #tpu.memory_space<vmem>>, vector<1x16xf32>,
        %parallel_loop3A_203 = arith.index_cast %parallel_loop3A_96 : i32 to index
        %parallel_loop3A_204 = arith.constant 96 : index
        %parallel_loop3A_205 = tpu.vector_load %arg14[%parallel_loop3A_203, %parallel_loop3A_204] {strides = array<i32>} : memref<128x128xf32, #tpu.memory_space<vmem>>, vector<1x16xf32>,
        %parallel_loop3A_206 = vector.shape_cast %parallel_loop3A_205 : vector<1x16xf32> to vector<16xf32>
        %parallel_loop3A_207 = arith.mulf %parallel_loop3A_206, %parallel_loop3A_142 : vector<16xf32>
        %parallel_loop3A_208 = arith.index_cast %parallel_loop3A_96 : i32 to index
        %parallel_loop3A_209 = arith.constant 96 : index
        %parallel_loop3A_210 = tpu.vector_load %arg14[%parallel_loop3A_208, %parallel_loop3A_209] {strides = array<i32>} : memref<128x128xf32, #tpu.memory_space<vmem>>, vector<1x16xf32>,
        %parallel_loop3A_211 = vector.shape_cast %parallel_loop3A_210 : vector<1x16xf32> to vector<16xf32>
        %parallel_loop3A_212 = vector.shape_cast %parallel_loop3A_207 : vector<16xf32> to vector<1x16xf32>
        tpu.vector_store %arg14[%parallel_loop3A_208, %parallel_loop3A_209], %parallel_loop3A_212 {strides = array<i32>} : memref<128x128xf32, #tpu.memory_space<vmem>>, vector<1x16xf32>,
        %parallel_loop3A_213 = arith.index_cast %parallel_loop3A_96 : i32 to index
        %parallel_loop3A_214 = arith.constant 112 : index
        %parallel_loop3A_215 = tpu.vector_load %arg14[%parallel_loop3A_213, %parallel_loop3A_214] {strides = array<i32>} : memref<128x128xf32, #tpu.memory_space<vmem>>, vector<1x16xf32>,
        %parallel_loop3A_216 = vector.shape_cast %parallel_loop3A_215 : vector<1x16xf32> to vector<16xf32>
        %parallel_loop3A_217 = arith.mulf %parallel_loop3A_216, %parallel_loop3A_142 : vector<16xf32>
        %parallel_loop3A_218 = arith.index_cast %parallel_loop3A_96 : i32 to index
        %parallel_loop3A_219 = arith.constant 112 : index
        %parallel_loop3A_220 = tpu.vector_load %arg14[%parallel_loop3A_218, %parallel_loop3A_219] {strides = array<i32>} : memref<128x128xf32, #tpu.memory_space<vmem>>, vector<1x16xf32>,
        %parallel_loop3A_221 = vector.shape_cast %parallel_loop3A_220 : vector<1x16xf32> to vector<16xf32>
        %parallel_loop3A_222 = vector.shape_cast %parallel_loop3A_217 : vector<16xf32> to vector<1x16xf32>
        tpu.vector_store %arg14[%parallel_loop3A_218, %parallel_loop3A_219], %parallel_loop3A_222 {strides = array<i32>} : memref<128x128xf32, #tpu.memory_space<vmem>>, vector<1x16xf32>,
      } {sc.loop_unroll_factor = 2 : i64, sc.parallel_access}
      %add3A_84 = arith.constant 156 : i32
      %add3A_85 = arith.addi %add3A, %add3A_84 : i32
      %mul3A_86 = arith.constant 128 : i32
      %mul3A_87 = arith.muli %add3A_85, %mul3A_86 : i32
      %dma_wait3A_88 = tpu.memref_slice %arg4[%mul3A_87] : memref<320000xi32, #tpu.memory_space<hbm>> -> memref<128xi32, #tpu.memory_space<hbm>>
      %dma_wait3A_89 = tpu.memref_slice %arg4[%mul3A_87] : memref<320000xi32, #tpu.memory_space<hbm>> -> memref<128xi32, #tpu.memory_space<hbm>>
      tpu.wait_dma2 semaphore(%arg23 : memref<!tpu.dma_semaphore, #tpu.memory_space<semaphore_mem>>) src(%dma_wait3A_89 : memref<128xi32, #tpu.memory_space<hbm>>) dst(%arg10 : memref<128xi32, #tpu.memory_space<vmem>>)
      %dma_start3A_90 = arith.constant 0 : i32
      %dma_start3A_91 = arith.constant 0 : i32
      %dma_start3A_92 = tpu.memref_slice %arg16[%dma_start3A_90, %dma_start3A_91] : memref<10000x128xf32, #tpu.memory_space<vmem_shared>> -> memref<10000x128xf32, #tpu.memory_space<vmem_shared>>
      tpu.enqueue_indirect_dma source(%arg14 : memref<128x128xf32, #tpu.memory_space<vmem>>) target(%dma_start3A_92 : memref<10000x128xf32, #tpu.memory_space<vmem_shared>>) offsets(%arg10 : memref<128xi32, #tpu.memory_space<vmem>>) semaphore(%arg25 : memref<!tpu.dma_semaphore, #tpu.memory_space<semaphore_mem>>) {add = true}
      %dma_wait3A_93 = arith.constant 0 : i32
      %dma_wait3A_94 = arith.constant 0 : i32
      %dma_wait3A_95 = tpu.memref_slice %arg16[%dma_wait3A_93, %dma_wait3A_94] : memref<10000x128xf32, #tpu.memory_space<vmem_shared>> -> memref<10000x128xf32, #tpu.memory_space<vmem_shared>>
      tpu.wait_indirect_dma semaphore(%arg25 : memref<!tpu.dma_semaphore, #tpu.memory_space<semaphore_mem>>) src(%arg14 : memref<128x128xf32, #tpu.memory_space<vmem>>) dst(%dma_wait3A_95 : memref<10000x128xf32, #tpu.memory_space<vmem_shared>>)
    } else {
    }
    %barrier3A_58 = arith.constant 0 : index
    tpu.barrier barrier_id(%barrier3A_58)
    %while3A_59 = arith.constant 0 : i32
    %while3A_60 = arith.constant 0 : i32
    %while3A_61 = arith.subi %select_n3A, %while3A_59 : i32
    %while3A_62 = arith.addi %while3A_59, %while3A_61 : i32
    %while3A_63 = arith.constant 1 : i32
    %while3A_64 = arith.divsi %while3A_61, %while3A_63 : i32
    %while3A_65 = arith.muli %while3A_64, %while3A_63 : i32
    %while3A_66 = arith.addi %while3A_59, %while3A_65 : i32
    %while3A_67 = arith.constant 1 : i32
    %while3A_68 = scf.for %while3A_71 = %while3A_59 to %while3A_66 step %while3A_67 iter_args(%while3A_72 = %while3A_60) -> (i32)  : i32 {
      %mul3A_73 = arith.constant 640 : i32
      %mul3A_74 = arith.muli %arg1, %mul3A_73 : i32
      %mul3A_75 = arith.constant 80 : i32
      %mul3A_76 = arith.muli %while3A_71, %mul3A_75 : i32
      %add3A_77 = arith.addi %mul3A_74, %mul3A_76 : i32
      %eq3A_78 = arith.constant 0 : i32
      %eq3A_79 = arith.cmpi eq, %arg0, %eq3A_78 : i32
      %convert_element_type3A_80 = arith.extui %eq3A_79 : i1 to i32
      %cond3A_81 = arith.constant 0 : i32
      %cond3A_82 = arith.cmpi ne, %convert_element_type3A_80, %cond3A_81 : i32
      scf.if %cond3A_82 {
        "tpu.region"() ({
          %run_scoped3A = tpu.sem_alloc : memref<!tpu.dma_semaphore, #tpu.memory_space<semaphore_mem>>
          %dma_start3A_89 = arith.constant 0 : i32
          %dma_start3A_90 = tpu.memref_slice %arg6[%add3A_77, %dma_start3A_89] : memref<10000x128xf32, #tpu.memory_space<hbm>> -> memref<80x128xf32, #tpu.memory_space<hbm>>
          %dma_start3A_91 = arith.constant 0 : i32
          %dma_start3A_92 = tpu.memref_slice %arg16[%add3A_77, %dma_start3A_91] : memref<10000x128xf32, #tpu.memory_space<vmem_shared>> -> memref<80x128xf32, #tpu.memory_space<vmem_shared>>
          tpu.enqueue_dma source(%dma_start3A_92 : memref<80x128xf32, #tpu.memory_space<vmem_shared>>) target(%dma_start3A_90 : memref<80x128xf32, #tpu.memory_space<hbm>>) target_semaphore(%run_scoped3A : memref<!tpu.dma_semaphore, #tpu.memory_space<semaphore_mem>>)
          %dma_wait3A_93 = arith.constant 0 : i32
          %dma_wait3A_94 = tpu.memref_slice %arg6[%add3A_77, %dma_wait3A_93] : memref<10000x128xf32, #tpu.memory_space<hbm>> -> memref<80x128xf32, #tpu.memory_space<hbm>>
          %dma_wait3A_95 = arith.constant 0 : i32
          %dma_wait3A_96 = tpu.memref_slice %arg16[%add3A_77, %dma_wait3A_95] : memref<10000x128xf32, #tpu.memory_space<vmem_shared>> -> memref<80x128xf32, #tpu.memory_space<vmem_shared>>
          tpu.wait_dma2 semaphore(%run_scoped3A : memref<!tpu.dma_semaphore, #tpu.memory_space<semaphore_mem>>) src(%dma_wait3A_96 : memref<80x128xf32, #tpu.memory_space<vmem_shared>>) dst(%dma_wait3A_94 : memref<80x128xf32, #tpu.memory_space<hbm>>)
          tpu.yield
        }) : () -> ()
      } else {
      }
      %eq3A_83 = arith.constant 1 : i32
      %eq3A_84 = arith.cmpi eq, %arg0, %eq3A_83 : i32
      %convert_element_type3A_85 = arith.extui %eq3A_84 : i1 to i32
      %cond3A_86 = arith.constant 0 : i32
      %cond3A_87 = arith.cmpi ne, %convert_element_type3A_85, %cond3A_86 : i32
      scf.if %cond3A_87 {
        "tpu.region"() ({
          %run_scoped3A = tpu.sem_alloc : memref<!tpu.dma_semaphore, #tpu.memory_space<semaphore_mem>>
          %dma_start3A_89 = arith.constant 0 : i32
          %dma_start3A_90 = tpu.memref_slice %arg7[%add3A_77, %dma_start3A_89] : memref<10000x128xf32, #tpu.memory_space<hbm>> -> memref<80x128xf32, #tpu.memory_space<hbm>>
          %dma_start3A_91 = arith.constant 0 : i32
          %dma_start3A_92 = tpu.memref_slice %arg16[%add3A_77, %dma_start3A_91] : memref<10000x128xf32, #tpu.memory_space<vmem_shared>> -> memref<80x128xf32, #tpu.memory_space<vmem_shared>>
          tpu.enqueue_dma source(%dma_start3A_92 : memref<80x128xf32, #tpu.memory_space<vmem_shared>>) target(%dma_start3A_90 : memref<80x128xf32, #tpu.memory_space<hbm>>) target_semaphore(%run_scoped3A : memref<!tpu.dma_semaphore, #tpu.memory_space<semaphore_mem>>)
          %dma_wait3A_93 = arith.constant 0 : i32
          %dma_wait3A_94 = tpu.memref_slice %arg7[%add3A_77, %dma_wait3A_93] : memref<10000x128xf32, #tpu.memory_space<hbm>> -> memref<80x128xf32, #tpu.memory_space<hbm>>
          %dma_wait3A_95 = arith.constant 0 : i32
          %dma_wait3A_96 = tpu.memref_slice %arg16[%add3A_77, %dma_wait3A_95] : memref<10000x128xf32, #tpu.memory_space<vmem_shared>> -> memref<80x128xf32, #tpu.memory_space<vmem_shared>>
          tpu.wait_dma2 semaphore(%run_scoped3A : memref<!tpu.dma_semaphore, #tpu.memory_space<semaphore_mem>>) src(%dma_wait3A_96 : memref<80x128xf32, #tpu.memory_space<vmem_shared>>) dst(%dma_wait3A_94 : memref<80x128xf32, #tpu.memory_space<hbm>>)
          tpu.yield
        }) : () -> ()
      } else {
      }
      %while3A_88 = arith.constant 0 : i32
      scf.yield %while3A_88 : i32
    }
    %while3A_69 = arith.constant 1 : i32
    %while3A_70 = scf.for %while3A_71 = %while3A_66 to %while3A_62 step %while3A_69 iter_args(%while3A_72 = %while3A_68) -> (i32)  : i32 {
      %mul3A_73 = arith.constant 640 : i32
      %mul3A_74 = arith.muli %arg1, %mul3A_73 : i32
      %mul3A_75 = arith.constant 80 : i32
      %mul3A_76 = arith.muli %while3A_71, %mul3A_75 : i32
      %add3A_77 = arith.addi %mul3A_74, %mul3A_76 : i32
      %eq3A_78 = arith.constant 0 : i32
      %eq3A_79 = arith.cmpi eq, %arg0, %eq3A_78 : i32
      %convert_element_type3A_80 = arith.extui %eq3A_79 : i1 to i32
      %cond3A_81 = arith.constant 0 : i32
      %cond3A_82 = arith.cmpi ne, %convert_element_type3A_80, %cond3A_81 : i32
      scf.if %cond3A_82 {
        "tpu.region"() ({
          %run_scoped3A = tpu.sem_alloc : memref<!tpu.dma_semaphore, #tpu.memory_space<semaphore_mem>>
          %dma_start3A_89 = arith.constant 0 : i32
          %dma_start3A_90 = tpu.memref_slice %arg6[%add3A_77, %dma_start3A_89] : memref<10000x128xf32, #tpu.memory_space<hbm>> -> memref<80x128xf32, #tpu.memory_space<hbm>>
          %dma_start3A_91 = arith.constant 0 : i32
          %dma_start3A_92 = tpu.memref_slice %arg16[%add3A_77, %dma_start3A_91] : memref<10000x128xf32, #tpu.memory_space<vmem_shared>> -> memref<80x128xf32, #tpu.memory_space<vmem_shared>>
          tpu.enqueue_dma source(%dma_start3A_92 : memref<80x128xf32, #tpu.memory_space<vmem_shared>>) target(%dma_start3A_90 : memref<80x128xf32, #tpu.memory_space<hbm>>) target_semaphore(%run_scoped3A : memref<!tpu.dma_semaphore, #tpu.memory_space<semaphore_mem>>)
          %dma_wait3A_93 = arith.constant 0 : i32
          %dma_wait3A_94 = tpu.memref_slice %arg6[%add3A_77, %dma_wait3A_93] : memref<10000x128xf32, #tpu.memory_space<hbm>> -> memref<80x128xf32, #tpu.memory_space<hbm>>
          %dma_wait3A_95 = arith.constant 0 : i32
          %dma_wait3A_96 = tpu.memref_slice %arg16[%add3A_77, %dma_wait3A_95] : memref<10000x128xf32, #tpu.memory_space<vmem_shared>> -> memref<80x128xf32, #tpu.memory_space<vmem_shared>>
          tpu.wait_dma2 semaphore(%run_scoped3A : memref<!tpu.dma_semaphore, #tpu.memory_space<semaphore_mem>>) src(%dma_wait3A_96 : memref<80x128xf32, #tpu.memory_space<vmem_shared>>) dst(%dma_wait3A_94 : memref<80x128xf32, #tpu.memory_space<hbm>>)
          tpu.yield
        }) : () -> ()
      } else {
      }
      %eq3A_83 = arith.constant 1 : i32
      %eq3A_84 = arith.cmpi eq, %arg0, %eq3A_83 : i32
      %convert_element_type3A_85 = arith.extui %eq3A_84 : i1 to i32
      %cond3A_86 = arith.constant 0 : i32
      %cond3A_87 = arith.cmpi ne, %convert_element_type3A_85, %cond3A_86 : i32
      scf.if %cond3A_87 {
        "tpu.region"() ({
          %run_scoped3A = tpu.sem_alloc : memref<!tpu.dma_semaphore, #tpu.memory_space<semaphore_mem>>
          %dma_start3A_89 = arith.constant 0 : i32
          %dma_start3A_90 = tpu.memref_slice %arg7[%add3A_77, %dma_start3A_89] : memref<10000x128xf32, #tpu.memory_space<hbm>> -> memref<80x128xf32, #tpu.memory_space<hbm>>
          %dma_start3A_91 = arith.constant 0 : i32
          %dma_start3A_92 = tpu.memref_slice %arg16[%add3A_77, %dma_start3A_91] : memref<10000x128xf32, #tpu.memory_space<vmem_shared>> -> memref<80x128xf32, #tpu.memory_space<vmem_shared>>
          tpu.enqueue_dma source(%dma_start3A_92 : memref<80x128xf32, #tpu.memory_space<vmem_shared>>) target(%dma_start3A_90 : memref<80x128xf32, #tpu.memory_space<hbm>>) target_semaphore(%run_scoped3A : memref<!tpu.dma_semaphore, #tpu.memory_space<semaphore_mem>>)
          %dma_wait3A_93 = arith.constant 0 : i32
          %dma_wait3A_94 = tpu.memref_slice %arg7[%add3A_77, %dma_wait3A_93] : memref<10000x128xf32, #tpu.memory_space<hbm>> -> memref<80x128xf32, #tpu.memory_space<hbm>>
          %dma_wait3A_95 = arith.constant 0 : i32
          %dma_wait3A_96 = tpu.memref_slice %arg16[%add3A_77, %dma_wait3A_95] : memref<10000x128xf32, #tpu.memory_space<vmem_shared>> -> memref<80x128xf32, #tpu.memory_space<vmem_shared>>
          tpu.wait_dma2 semaphore(%run_scoped3A : memref<!tpu.dma_semaphore, #tpu.memory_space<semaphore_mem>>) src(%dma_wait3A_96 : memref<80x128xf32, #tpu.memory_space<vmem_shared>>) dst(%dma_wait3A_94 : memref<80x128xf32, #tpu.memory_space<hbm>>)
          tpu.yield
        }) : () -> ()
      } else {
      }
      %while3A_88 = arith.constant 0 : i32
      scf.yield %while3A_88 : i32
    }
    return
  }
}

module attributes {stable_mosaic.version = 14 : i64} {
  func.func @_mlp_body(%arg0: i32, %arg1: memref<2000x128xf32, #tpu.memory_space<vmem>>, %arg2: memref<2000x128xf32, #tpu.memory_space<vmem>>, %arg3: memref<2000x128xf32, #tpu.memory_space<vmem>>, %arg4: memref<384x128xf32, #tpu.memory_space<vmem>>, %arg5: memref<1x128xf32, #tpu.memory_space<vmem>>, %arg6: memref<128x128xf32, #tpu.memory_space<vmem>>, %arg7: memref<1x128xf32, #tpu.memory_space<vmem>>, %arg8: memref<2000x128xf32, #tpu.memory_space<vmem>>) attributes {dimension_semantics = [#tpu.dimension_semantics<arbitrary>], iteration_bounds = array<i64: 5>, scalar_prefetch = 0 : i64, scratch_operands = 0 : i64, tpu.core_type = #tpu.core_type<tc>, window_params = [{transform_indices = @transform_0, window_bounds = array<i64: 2000, 128>}, {transform_indices = @transform_1, window_bounds = array<i64: 2000, 128>}, {transform_indices = @transform_2, window_bounds = array<i64: 2000, 128>}, {pipeline_mode = #tpu.pipeline_mode<synchronous>, transform_indices = @transform_3, window_bounds = array<i64: 384, 128>}, {pipeline_mode = #tpu.pipeline_mode<synchronous>, transform_indices = @transform_4, window_bounds = array<i64: 1, 128>}, {pipeline_mode = #tpu.pipeline_mode<synchronous>, transform_indices = @transform_5, window_bounds = array<i64: 128, 128>}, {pipeline_mode = #tpu.pipeline_mode<synchronous>, transform_indices = @transform_6, window_bounds = array<i64: 1, 128>}, {transform_indices = @transform_7, window_bounds = array<i64: 2000, 128>}]} {
    %get3A = arith.constant 0 : index
    %get3A_0 = arith.constant 0 : index
    %get3A_1 = vector.load %arg1[%get3A, %get3A_0] : memref<2000x128xf32, #tpu.memory_space<vmem>>, vector<2000x128xf32>
    %get3A_2 = arith.constant 0 : index
    %get3A_3 = arith.constant 0 : index
    %get3A_4 = vector.load %arg4[%get3A_2, %get3A_3] : memref<384x128xf32, #tpu.memory_space<vmem>>, vector<128x128xf32>
    %dot_general3A = arith.constant dense<0.000000e+00> : vector<2000x128xf32>
    %dot_general3A_5 = tpu.matmul %get3A_1, %get3A_4, %dot_general3A {dimension_numbers = #tpu.dot_dimension_numbers<[1], [0], [0], [1], [0, 0, 1, 1], [], []>, transpose_lhs_hint = false} : vector<2000x128xf32>, vector<128x128xf32>, vector<2000x128xf32> -> vector<2000x128xf32>
    %get3A_6 = arith.constant 0 : index
    %get3A_7 = arith.constant 0 : index
    %get3A_8 = vector.load %arg2[%get3A_6, %get3A_7] : memref<2000x128xf32, #tpu.memory_space<vmem>>, vector<2000x128xf32>
    %get3A_9 = arith.constant 128 : index
    %get3A_10 = arith.constant 0 : index
    %get3A_11 = vector.load %arg4[%get3A_9, %get3A_10] : memref<384x128xf32, #tpu.memory_space<vmem>>, vector<128x128xf32>
    %dot_general3A_12 = arith.constant dense<0.000000e+00> : vector<2000x128xf32>
    %dot_general3A_13 = tpu.matmul %get3A_8, %get3A_11, %dot_general3A_12 {dimension_numbers = #tpu.dot_dimension_numbers<[1], [0], [0], [1], [0, 0, 1, 1], [], []>, transpose_lhs_hint = false} : vector<2000x128xf32>, vector<128x128xf32>, vector<2000x128xf32> -> vector<2000x128xf32>
    %add3A = arith.addf %dot_general3A_5, %dot_general3A_13 : vector<2000x128xf32>
    %get3A_14 = arith.constant 0 : index
    %get3A_15 = arith.constant 0 : index
    %get3A_16 = vector.load %arg3[%get3A_14, %get3A_15] : memref<2000x128xf32, #tpu.memory_space<vmem>>, vector<2000x128xf32>
    %get3A_17 = arith.constant 256 : index
    %get3A_18 = arith.constant 0 : index
    %get3A_19 = vector.load %arg4[%get3A_17, %get3A_18] : memref<384x128xf32, #tpu.memory_space<vmem>>, vector<128x128xf32>
    %dot_general3A_20 = arith.constant dense<0.000000e+00> : vector<2000x128xf32>
    %dot_general3A_21 = tpu.matmul %get3A_16, %get3A_19, %dot_general3A_20 {dimension_numbers = #tpu.dot_dimension_numbers<[1], [0], [0], [1], [0, 0, 1, 1], [], []>, transpose_lhs_hint = false} : vector<2000x128xf32>, vector<128x128xf32>, vector<2000x128xf32> -> vector<2000x128xf32>
    %add3A_22 = arith.addf %add3A, %dot_general3A_21 : vector<2000x128xf32>
    %get3A_23 = arith.constant 0 : index
    %get3A_24 = arith.constant 0 : index
    %get3A_25 = vector.load %arg5[%get3A_23, %get3A_24] : memref<1x128xf32, #tpu.memory_space<vmem>>, vector<1x128xf32>
    %add3A_26 = vector.broadcast %get3A_25 : vector<1x128xf32> to vector<2000x128xf32>
    %add3A_27 = arith.addf %add3A_22, %add3A_26 : vector<2000x128xf32>
    %tanh3A = math.tanh %add3A_27 : vector<2000x128xf32>
    %get3A_28 = arith.constant 0 : index
    %get3A_29 = arith.constant 0 : index
    %get3A_30 = vector.load %arg6[%get3A_28, %get3A_29] : memref<128x128xf32, #tpu.memory_space<vmem>>, vector<128x128xf32>
    %dot_general3A_31 = arith.constant dense<0.000000e+00> : vector<2000x128xf32>
    %dot_general3A_32 = tpu.matmul %tanh3A, %get3A_30, %dot_general3A_31 {dimension_numbers = #tpu.dot_dimension_numbers<[1], [0], [0], [1], [0, 0, 1, 1], [], []>, transpose_lhs_hint = false} : vector<2000x128xf32>, vector<128x128xf32>, vector<2000x128xf32> -> vector<2000x128xf32>
    %get3A_33 = arith.constant 0 : index
    %get3A_34 = arith.constant 0 : index
    %get3A_35 = vector.load %arg7[%get3A_33, %get3A_34] : memref<1x128xf32, #tpu.memory_space<vmem>>, vector<1x128xf32>
    %add3A_36 = vector.broadcast %get3A_35 : vector<1x128xf32> to vector<2000x128xf32>
    %add3A_37 = arith.addf %dot_general3A_32, %add3A_36 : vector<2000x128xf32>
    %tanh3A_38 = math.tanh %add3A_37 : vector<2000x128xf32>
    %swap3A = arith.constant 0 : index
    %swap3A_39 = arith.constant 0 : index
    %swap3A_40 = vector.load %arg8[%swap3A, %swap3A_39] : memref<2000x128xf32, #tpu.memory_space<vmem>>, vector<2000x128xf32>
    tpu.vector_store %arg8[%swap3A, %swap3A_39], %tanh3A_38 {strides = array<i32>} : memref<2000x128xf32, #tpu.memory_space<vmem>>, vector<2000x128xf32>,
    return
  }
  func.func @transform_0(%arg0: i32) -> (i32, i32) {
    %c0_i32 = arith.constant 0 : i32
    %c0_i32_0 = arith.constant 0 : i32
    return %arg0, %c0_i32 : i32, i32
  }
  func.func @transform_1(%arg0: i32) -> (i32, i32) {
    %c0_i32 = arith.constant 0 : i32
    %c0_i32_0 = arith.constant 0 : i32
    return %arg0, %c0_i32 : i32, i32
  }
  func.func @transform_2(%arg0: i32) -> (i32, i32) {
    %c0_i32 = arith.constant 0 : i32
    %c0_i32_0 = arith.constant 0 : i32
    return %arg0, %c0_i32 : i32, i32
  }
  func.func @transform_3(%arg0: i32) -> (i32, i32) {
    %c0_i32 = arith.constant 0 : i32
    %c0_i32_0 = arith.constant 0 : i32
    %c0_i32_1 = arith.constant 0 : i32
    return %c0_i32, %c0_i32_0 : i32, i32
  }
  func.func @transform_4(%arg0: i32) -> (i32, i32) {
    %c0_i32 = arith.constant 0 : i32
    %c0_i32_0 = arith.constant 0 : i32
    %c0_i32_1 = arith.constant 0 : i32
    return %c0_i32, %c0_i32_0 : i32, i32
  }
  func.func @transform_5(%arg0: i32) -> (i32, i32) {
    %c0_i32 = arith.constant 0 : i32
    %c0_i32_0 = arith.constant 0 : i32
    %c0_i32_1 = arith.constant 0 : i32
    return %c0_i32, %c0_i32_0 : i32, i32
  }
  func.func @transform_6(%arg0: i32) -> (i32, i32) {
    %c0_i32 = arith.constant 0 : i32
    %c0_i32_0 = arith.constant 0 : i32
    %c0_i32_1 = arith.constant 0 : i32
    return %c0_i32, %c0_i32_0 : i32, i32
  }
  func.func @transform_7(%arg0: i32) -> (i32, i32) {
    %c0_i32 = arith.constant 0 : i32
    %c0_i32_0 = arith.constant 0 : i32
    return %arg0, %c0_i32 : i32, i32
  }
}

</mosaic_0001>

<sc_bundles>
// kernel: kernel.4.cloned.1.call-start
scs
__scs_entry_jumppad:
0x0: {  	(pc) =	sbr.rel $0x88, $3  }
0x1: {  	(tag) =	ssettag $0x0;
	lr =	simm.s32 $0x1  }
0x2: {  	[smem:$0x3F9A] =	sst lr;
	_ =	strace $0xD0000000  }
0x3: {  	_ = 	snop  }
0x4: {  	_ = 	snop  }
0x5: {  	_ = 	snop  }
0x6: {  	_ = 	snop  }
0x7: {  	_ = 	snop  }
__scs_overlays_trampoline_lowered:
0x8: {  	[smem:$0x3FA9] =	sst s0  }
0x9: {  	[smem:$0x3FAA] =	sst s1  }
0xa: {  	[smem:$0x3FAB] =	sst s2  }
0xb: {  	[smem:$0x3FAC] =	sst s3  }
0xc: {  	[smem:$0x3FAD] =	sst s4  }
0xd: {  	[smem:$0x3FAE] =	sst s5  }
0xe: {  	[smem:$0x3FAF] =	sst s6  }
0xf: {  	[smem:$0x3FB0] =	sst s7  }
0x10: {  	[smem:$0x3FB1] =	sst s8  }
0x11: {  	[smem:$0x3FB2] =	sst s9;
	s0 =	simm.s32 @!p0 $0x0  }
0x12: {  	s1 =	sld [smem:$0x3F98];
	s0 =	simm.s32 @p0 $0x1  }
0x13: {  	[smem:$0x3FB3] =	sst s0;
	s0 =	simm.s32 @!p1 $0x0  }
0x14: {  	s2 =	sld [smem:$0x3F97];
	s0 =	simm.s32 @p1 $0x1  }
0x15: {  	[smem:$0x3FB4] =	sst s0;
	s0 =	simm.s32 @!p2 $0x0  }
0x16: {  	s3 =	sld [smem:$0x3FDB];
	s0 =	simm.s32 @p2 $0x1  }
0x17: {  	s4 =	simm.s32 $0x1BF5;
	[smem:$0x3FB6] =	sst s0  }
0x18: {  	s0 =	sld [smem:$0x3F99];
	_ =	swait.ge [sflag:s4], $0x0  }
0x19: {  	s7 =	sld [smem:$0x3F9A]  }
0x1a: {  	s8 =	sadd.s32 $0xFFFFE003, lr  }
0x1b: {  	s9 =	sadd.s32 $0xFFFFFEF7, lr;
	s5 =	simm.s32 $0xFFFFFFFF;
	p2 =	slt.u32 s8, $0xFFFFF086  }
0x1c: {  	p1 =	slt.u32 s9, $0xF7A;
	s5 =	simm.s32 @!p2 $0x0  }
0x1d: {  	s5 =	simm.s32 @p1 $0x1;
	p0 =	seq.s32 s7, s2  }
0x1e: {  	s7 =	smul.u32 @!p0 $0xF7A, s2;
	p2 =	seq.s32 @!p0 s5, $0x0  }
0x1f: {  	s9 =	smul.u32 $0xF7A, s1;
	s8 =	simm.s32 @!p0 $0x1BF5;
	p2 =	por !p2, p0  }
0x20: {  	[sflag:s8] =	ssyncset.s32 @!p0 $0xFFFFF086;
	s6 =	sadd.s32 @!p0 s3, s7;
	s7 =	simm.s32 @!p0 $0x108  }
0x21: {  	s3 =	sadd.s32 s3, s9;
	s6 =	sadd.s32 @!p0 $0x88, s6;
	s7 =	simm.s32 @p2 $0x1082  }
0x22: {  	[simem:s7], [sflag:s8] =	dma.local @!p0 [hbm:s6], $0xF7A  }
0x23: {  	s9 =	sor.u32 $0xD0000000, s2;
	s6 =	simm.s32 $0x108;
	_ =	swait.ge @!p0 [sflag:s8], $0x0  }
0x24: {  	s3 =	sadd.s32 $0x88, s3;
	s6 =	simm.s32 @!p1 $0x1082;
	[sflag:s4] =	ssyncset.s32 $0xFFFFF086  }
0x25: {  	[simem:s6], [sflag:s4] =	dma.local [hbm:s3], $0xF7A  }
0x26: {  	[smem:$0x3F9A] =	sst s1;
	(tag) =	ssettag s2;
	_ =	strace s9  }
0x27: {  	s1 =	sld [smem:$0x3FAA]  }
0x28: {  	s2 =	sld [smem:$0x3FAB]  }
0x29: {  	s4 =	sld [smem:$0x3FAD]  }
0x2a: {  	p0 =	seq.s32 s5, $0x0;
	s5 =	sld [smem:$0x3FAE]  }
0x2b: {  	s6 =	sld [smem:$0x3FAF]  }
0x2c: {  	s7 =	sld [smem:$0x3FB0]  }
0x2d: {  	s3 =	simm.s32 $0x108;
	s8 =	sld [smem:$0x3FB1]  }
0x2e: {  	s3 =	simm.s32 @!p0 $0x1082;
	s9 =	sld [smem:$0x3FB2]  }
0x2f: {  	lr =	sadd.s32 s0, s3;
	s0 =	sld [smem:$0x3FA9]  }
0x30: {  	s3 =	sld [smem:$0x3FAC]  }
0x31: {  	[smem:$0x3FB5] =	sst s10  }
0x32: {  	s10 =	sld [smem:$0x3FB3];
	_ =	sdelay $0x3  }
0x33: {  	p0 =	seq.s32 s10, $0x1;
	s10 =	sld [smem:$0x3FB5];
	_ =	sdelay $0x3  }
0x34: {  	[smem:$0x3FB5] =	sst s10  }
0x35: {  	s10 =	sld [smem:$0x3FB4];
	_ =	sdelay $0x3  }
0x36: {  	p1 =	seq.s32 s10, $0x1;
	s10 =	sld [smem:$0x3FB5];
	_ =	sdelay $0x3  }
0x37: {  	[smem:$0x3FB5] =	sst s10  }
0x38: {  	s10 =	sld [smem:$0x3FB6]  }
0x39: {  	_ = 	snop;
	(pc) =	sbr.ind lr, $3  }
0x3a: {  	_ = 	snop  }
0x3b: {  	_ = 	snop  }
0x3c: {  	p2 =	seq.s32 s10, $0x1;
	s10 =	sld [smem:$0x3FB5]  }
0x3d: {  	_ =	shalt  }
0x3e: {  	_ =	shalt  }
0x3f: {  	_ =	shalt  }
0x40: {  	_ =	shalt  }
0x41: {  	_ =	shalt  }
0x42: {  	_ =	shalt  }
0x43: {  	_ =	shalt  }
0x44: {  	_ =	shalt  }
0x45: {  	_ =	shalt  }
0x46: {  	_ =	shalt  }
0x47: {  	_ =	shalt  }
0x48: {  	_ =	shalt  }
0x49: {  	_ =	shalt  }
0x4a: {  	_ =	shalt  }
0x4b: {  	_ =	shalt  }
0x4c: {  	_ =	shalt  }
0x4d: {  	_ =	shalt  }
0x4e: {  	_ =	shalt  }
0x4f: {  	_ =	shalt  }
0x50: {  	_ =	shalt  }
0x51: {  	_ =	shalt  }
0x52: {  	_ =	shalt  }
0x53: {  	_ =	shalt  }
0x54: {  	_ =	shalt  }
0x55: {  	_ =	shalt  }
0x56: {  	_ =	shalt  }
0x57: {  	_ =	shalt  }
0x58: {  	_ =	shalt  }
0x59: {  	_ =	shalt  }
0x5a: {  	_ =	shalt  }
0x5b: {  	_ =	shalt  }
0x5c: {  	_ =	shalt  }
0x5d: {  	_ =	shalt  }
0x5e: {  	_ =	shalt  }
0x5f: {  	_ =	shalt  }
0x60: {  	_ =	shalt  }
0x61: {  	_ =	shalt  }
0x62: {  	_ =	shalt  }
0x63: {  	_ =	shalt  }
0x64: {  	_ =	shalt  }
0x65: {  	_ =	shalt  }
0x66: {  	_ =	shalt  }
0x67: {  	_ =	shalt  }
0x68: {  	_ =	shalt  }
0x69: {  	_ =	shalt  }
0x6a: {  	_ =	shalt  }
0x6b: {  	_ =	shalt  }
0x6c: {  	_ =	shalt  }
0x6d: {  	_ =	shalt  }
0x6e: {  	_ =	shalt  }
0x6f: {  	_ =	shalt  }
0x70: {  	_ =	shalt  }
0x71: {  	_ =	shalt  }
0x72: {  	_ =	shalt  }
0x73: {  	_ =	shalt  }
0x74: {  	_ =	shalt  }
0x75: {  	_ =	shalt  }
0x76: {  	_ =	shalt  }
0x77: {  	_ =	shalt  }
0x78: {  	_ =	shalt  }
0x79: {  	_ =	shalt  }
0x7a: {  	_ =	shalt  }
0x7b: {  	_ =	shalt  }
0x7c: {  	_ =	shalt  }
0x7d: {  	_ =	shalt  }
0x7e: {  	_ =	shalt  }
0x7f: {  	_ =	shalt  }
0x80: {  	_ =	shalt  }
0x81: {  	_ =	shalt  }
0x82: {  	_ =	shalt  }
0x83: {  	_ =	shalt  }
0x84: {  	_ =	shalt  }
0x85: {  	_ =	shalt  }
0x86: {  	_ =	shalt  }
0x87: {  	_ =	shalt  }
.Lfunc_end0:
.L_simem_size_0:
called_computation_lowered:
.L_overlay_start_0:
0x88: {  	s2 =	sld [smem:$0x3FD9]  }
0x89: {  	s3 =	sld [smem:$0x3FFE];
	_ =	sdelay $0x1  }
0x8a: {  	s1 =	srdreg.scid  }
0x8b: {  	s0 =	sand.u32 $0x1, s1  }
0x8c: {  	s17 =	sshll.u32 s0, $0xA;
	s2 =	sadd.s32 s3, s2  }
0x8d: {  	s2 =	sadd.s32 s2, s17  }
0x8e: {  	[smem:$0x3FC1] =	sst s2  }
0x8f: {  	_ = 	snop  }
0x90: {  	s2 =	sld [smem:$0x3FC9]  }
0x91: {  	s18 =	sld [smem:$0x3FD0];
	(tm) =	ssettm $0x1  }
0x92: {  	s4 =	sld [smem:$0x3FFB];
	_ =	sdelay $0x3  }
0x93: {  	_ =	strace s4  }
0x94: {  	s4 =	sld [smem:$0x3FFC];
	_ =	sdelay $0x3  }
0x95: {  	_ =	strace s4  }
0x96: {  	s4 =	sld [smem:$0x3FFD];
	_ =	sdelay $0x3  }
0x97: {  	_ =	strace s4  }
0x98: {  	_ =	strace $0x8FFFFFFF  }
0x99: {  	s19 =	sld [smem:$0x3FDB];
	_ =	sdelay $0x1  }
0x9a: {  	s5 =	simm.s32 $_scs_section_size  }
0x9b: {  	s6 =	simm.s32 $_size__tile_overlayer_lowered;
	s7 =	simm.s32 $_tile_overlayer_lowered  }
0x9c: {  	s22 =	simm.s32 $0x1BFF;
	s21 =	sshll.u32 s7, $0x1;
	s4 =	sadd.s32 s5, s19  }
0x9d: {  	s8 =	simm.s32 $0x0;
	s20 =	sshll.u32 s6, $0x1;
	s6 =	sadd.s32 s21, s4  }
0x9e: {  	[timem:s8], [sflag:s22] =	dma.local [hbm:s6], s20  }
0x9f: {  	_ =	swait.ge [sflag:s22], s20  }
0xa0: {  	s5 =	ssub.s32 $0x0, s20;
	[sflag:s22] =	ssyncset.done $0x0  }
0xa1: {  	[sflag:s22] =	ssyncadd.s32 s5;
	_ =	sdelay $0x1  }
0xa2: {  	s23 =	simm.s32 $0x1B8B  }
0xa3: {  	_ =	swait.ge [sflag:s23], $0x1  }
0xa4: {  	[sflag:s23] =	ssyncset.done $0x0  }
0xa5: {  	s25 =	simm.s32 $0x1B8E;
	s24 =	sld [smem:$0x3FFE];
	[sflag:s23] =	ssyncadd.s32 $0xFFFFFFFF  }
0xa6: {  	s26 =	simm.s32 $execute0_lowered;
	[smem:$0x3FD2] =	sst s25  }
0xa7: {  	s6 =	sshll.u32 s26, $0x1;
	_ =	strace $0x80000046;
	[dreg:$0x1] =	wrdreg $0xFFFFFFFF  }
0xa8: {  	s28 =	simm.s32 $_size_execute0_lowered;
	s4 =	sadd.s32 s4, s6;
	[dreg:$0x0] =	wrdreg $0x0  }
0xa9: {  	s6 =	sshll.u32 s28, $0x1;
	[dreg:$0x2] =	wrdreg s4  }
0xaa: {  	[dreg:$0x3] =	wrdreg s6  }
0xab: {  	[dreg:$0x4] =	wrdreg $0xC0  }
0xac: {  	_ =	task [dreg:s8], $0x5FFFF  }
0xad: {  	[dreg:$0x1] =	wrdreg $0xFFFFFFFF  }
0xae: {  	[dreg:$0x0] =	wrdreg $0x60  }
0xaf: {  	[dreg:$0x2] =	wrdreg s2  }
0xb0: {  	[dreg:$0x3] =	wrdreg s24  }
0xb1: {  	[dreg:$0x4] =	wrdreg s18  }
0xb2: {  	[dreg:$0x5] =	wrdreg $0x92000  }
0xb3: {  	[dreg:$0x6] =	wrdreg $0x9  }
0xb4: {  	_ =	task.clear_ibuf [dreg:s8], $0x7FFFF;
	_ =	strace $0x90000046  }
0xb5: {  	s29 =	simm.s32 $0x9;
	_ =	strace $0x80000048  }
0xb6: {  	_ =	swait.ge [sflag:s29], $0x1  }
0xb7: {  	[sflag:s29] =	ssyncadd.s32 $0xFFFFFFFF  }
0xb8: {  	_ =	strace $0x90000048  }
0xb9: {  	_ =	sfence  }
0xba: {  	s30 =	sld [smem:$0x0];
	_ =	sdelay $0x2  }
0xbb: {  	s31 =	sshll.u32 s1, $0xD;
	s1 =	sshrl.u32 s1, $0x2  }
0xbc: {  	s3 =	sand.u32 $0x4000, s31;
	s1 =	sadd.s32 s1, s30  }
0xbd: {  	s0 =	sor.u32 s3, s0;
	s1 =	sshll.u32 s1, $0x11  }
0xbe: {  	s0 =	sor.u32 s1, s0  }
0xbf: {  	s0 =	sadd.s32 $0x8F2B, s0  }
0xc0: {  	[sflag:s0] =	ssyncadd.remote.s32 $0x1  }
0xc1: {  	_ =	sfence.sel $0xFFFF  }
0xc2: {  	[dreg:$0x0] =	wrdreg $0xFFFFFFFF;
	(pc) =	sbr.abs _section_cstart, $3  }
0xc3: {  	[dreg:$0x1] =	wrdreg $0xFFFFFFFF  }
0xc4: {  	_ =	task.clear_ibuf [dreg:s8], $0x2FFFF;
	_ =	strace $0x9FFFFFFF  }
0xc5: {  	(tm) =	ssettm $0x7FFFFFFF  }
tec
execute0_lowered:
.L_overlay_start_1:
0x0: {  	(tag) =	ssettag $0x1  }
0x1: {  	s0 =	rddreg [dreg:$0x1]  }
0x2: {  	s2 =	rddreg [dreg:$0x2]  }
0x3: {  	s3 =	rddreg [dreg:$0x3]  }
0x4: {  	s1 =	simm.s32 $0x0;
	s5 =	srdreg.scid;
	s18 =	stileid.u32  }
0x5: {  	s22 =	simm.s32 $0x5;
	s28 =	simm.s32 $0x5200;
	s29 =	simm.s32 $0x1  }
0x6: {  	s30 =	simm.s32 $0x3;
	s31 =	simm.s32 $0x7;
	s15 =	simm.s32 $0x4  }
0x7: {  	[smem:$0x7FF] =	sst s1;
	s6 =	sadd.s32 $0xAE00, s0;
	s5 =	sand.u32 $0x1, s5  }
0x8: {  	s9 =	sadd.s32 $0x1000, s0;
	s7 =	sadd.s32 $0x14C00, s0;
	s11 =	smul.u32 $0x9C, s18  }
0x9: {  	s0 =	sadd.s32 $0xB1000, s0;
	s19 =	smin.u32 s18, $0x4;
	s21 =	smul.u32 $0x50000, s18  }
0xa: {  	p0 =	seq.s32 s18, $0xF;
	s26 =	smul.u32 $0x2800, s18;
	p1 =	sgt.u32 s18, $0x3  }
0xb: {  	s1 =	simm.s32 $0x0;
	_ =	strace $0x80000047;
	s8 =	ssub.s32 $0x2, s5  }
0xc: {  	s22 =	simm.s32 @!p0 $0x8;
	p0 =	seq.s32 s5, $0x0;
	s10 =	sshrl.u32 s8, $0x1  }
0xd: {  	s23 =	sshrl.u32 s21, $0x2;
	[dreg:$0xc] =	wrdreg s26;
	s21 =	simm.s32 $0x100  }
0xe: {  	s26 =	simm.s32 $0x6;
	[dreg:$0x5] =	wrdreg s22;
	s12 =	ssub.s32 s8, s10  }
0xf: {  	s8 =	sadd.s32 s19, s11;
	s25 =	sadd.s32 s23, s3;
	s19 =	simm.s32 $0x1200  }
0x10: {  	s23 =	simm.s32 $0x80;
	s11 =	sshll.u32 s8, $0x4;
	s14 =	sshll.u32 s8, $0x8  }
0x11: {  	s12 =	smax.u32 s12, $0x1;
	s24 =	sadd.s32 $0x2, s8;
	[dreg:$0xb] =	wrdreg s25  }
0x12: {  	s13 =	sadd.s32 s9, s11;
	s4 =	sadd.s32 s6, s11;
	[dreg:$0x9] =	wrdreg s12  }
0x13: {  	s20 =	sadd.s32 s7, s14;
	s14 =	smov.u32 s9;
	[dreg:$0xa] =	wrdreg s24  }
0x14: {  	s24 =	simm.s32 $0x180;
	s12 =	simm.s32 $0x2;
	[dreg:$0x7] =	wrdreg s20  }
0x15: {  	s10 =	smov.u32 s13;
	s14 =	smov.u32 @p0 s6;
	s6 =	smov.u32 @p0 s9  }
0x16: {  	s20 =	simm.s32 $0xB;
	s10 =	smov.u32 @p0 s4;
	s4 =	smov.u32 @p0 s13  }
0x17: {  	p0 =	sne.s32 s5, $0x0;
	s13 =	simm.s32 $0x8;
	[dreg:$0x8] =	wrdreg s10  }
0x18: {  	v0 =	vimm.f32 $0.0e+00;
	[dreg:$0x6] =	wrdreg s4;
	s2 =	smov.u32 @p0 s0;
	s0 =	simm.s32 $0x9  }
.LBB2_1:
0x19: {  	s5 =	simm.s32 $0x0;
	s9 =	simm.s32 $0x200  }
.LBB2_2:
0x1a: {  	p2 =	sne.s32 s9, $0xFE00;
	[tilespmem:s5+$0x1270] =	vst v0  }
0x1b: {  	[tilespmem:s5+$0x1200] =	vst v0  }
0x1c: {  	[tilespmem:s5+$0x1210] =	vst v0  }
.Ltmp0:
0x1d: {  	[tilespmem:s5+$0x1220] =	vst v0;
	(pc) =	sbr.rel @p2 .LBB2_2-.Ltmp0, $4  }
0x1e: {  	[tilespmem:s5+$0x1230] =	vst v0  }
0x1f: {  	[tilespmem:s5+$0x1240] =	vst v0  }
0x20: {  	[tilespmem:s5+$0x1250] =	vst v0  }
0x21: {  	[tilespmem:s5+$0x1260] =	vst v0;
	s5 =	sshra.s32 s9, $0x2;
	s9 =	sadd.s32 $0x200, s9  }
0x22: {  	[tilespmem:s5+$0x1270] =	vst v0  }
0x23: {  	[tilespmem:s5+$0x1200] =	vst v0  }
0x24: {  	[tilespmem:s5+$0x1210] =	vst v0  }
0x25: {  	[tilespmem:s5+$0x1220] =	vst v0  }
0x26: {  	[tilespmem:s5+$0x1230] =	vst v0  }
0x27: {  	[tilespmem:s5+$0x1240] =	vst v0;
	p2 =	sne.s32 s22, $0x1  }
.Ltmp1:
0x28: {  	[dreg:$0xd] =	wrdreg s1;
	[tilespmem:s5+$0x1250] =	vst v0;
	(pc) =	sbr.rel @!p2 .LBB2_5-.Ltmp1, $4  }
0x29: {  	[tilespmem:s5+$0x1260] =	vst v0;
	s9 =	rddreg [dreg:$0xb]  }
0x2a: {  	[spmem:s9] =	stream.linear.scatter [tilespmem:s19], [sflag:$0xB], $0x2800, $0x38;
	[tilespmem:$0x1CA80] =	vst v63  }
0x2b: {  	_ =	swait.ge [sflag:s20], $0x2800  }
0x2c: {  	s5 =	sadd.s32 $0xFFFFFFFF, s22;
	[sflag:s20] =	ssyncset.done $0x0  }
.LBB2_4:
0x2d: {  	p2 =	sne.s32 s5, $0x1;
	[sflag:s20] =	ssyncadd.s32 $0xFFFFD800;
	s9 =	sadd.s32 $0x2800, s9  }
.Ltmp2:
0x2e: {  	s5 =	sadd.s32 $0xFFFFFFFF, s5;
	(pc) =	sbr.rel @p2 .LBB2_4-.Ltmp2, $4  }
0x2f: {  	_ = 	snop  }
0x30: {  	[spmem:s9] =	stream.linear.scatter [tilespmem:s19], [sflag:$0xB], $0x2800, $0x38;
	[tilespmem:$0x1CA80] =	vst v63  }
0x31: {  	_ =	swait.ge [sflag:s20], $0x2800  }
0x32: {  	[sflag:s20] =	ssyncset.done $0x0  }
.LBB2_5:
0x33: {  	[sflag:s20] =	ssyncadd.s32 $0xFFFFD800  }
0x34: {  	[bflag:$0x0] =	sbarrier.arrive $0xFFFF  }
0x35: {  	s18 =	simm.s32 $0x0;
	s1 =	rddreg [dreg:$0x8]  }
0x36: {  	[tilespmem:s18], [sflag:$0x5] =	stream.linear.gather [hbm4b:s1+s18], $0x80, $0x38;
	[tilespmem:$0x1CA80] =	vst v63  }
0x37: {  	s17 =	rddreg [dreg:$0x6]  }
0x38: {  	[tilespmem:s21], [sflag:$0x7] =	stream.linear.gather [hbm4b:s17+s18], $0x80, $0x38;
	[tilespmem:$0x1CA80] =	vst v63  }
0x39: {  	s4 =	simm.s32 $0x200;
	s25 =	simm.s32 $0x5;
	s22 =	rddreg [dreg:$0x7]  }
0x3a: {  	[tilespmem:s4], [sflag:$0x3] =	stream.linear.gather [hbm4b:s22+s18], $0x800, $0x38;
	[tilespmem:$0x1CA80] =	vst v63  }
0x3b: {  	_ =	swait.ge [sflag:s25], $0x80  }
0x3c: {  	[sflag:s25] =	ssyncset.done $0x0  }
0x3d: {  	[sflag:s25] =	ssyncadd.s32 $0xFFFFFF80  }
0x3e: {  	s9 =	simm.s32 $0x0;
	s1 =	rddreg [dreg:$0x0]  }
0x3f: {  	[tilespmem:s19], [sflag:$0x1] =	stream.indirect.gather [hbm4b:s1+s23], $0x80, s18, s23, $0xb8;
	[tilespmem:$0x1CA80] =	vst v63  }
.LBB2_6:
0x40: {  	s17 =	sshll.u32 s9, $0x1;
	p2 =	seq.s32 s9, $0x0  }
0x41: {  	s5 =	simm.s32 @!p2 $0xA;
	s11 =	sadd.s32 s17, s8  }
0x42: {  	_ =	swait.ge @!p2 [sflag:s5], $0x4000;
	s11 =	sadd.s32 $0x1, s11  }
0x43: {  	[sflag:s5] =	ssyncset.done @!p2 $0x0;
	s16 =	sshll.u32 s11, $0x4  }
0x44: {  	[sflag:s5] =	ssyncadd.s32 @!p2 $0xFFFFC000;
	s25 =	sadd.s32 s14, s16  }
0x45: {  	[tilespmem:s23], [sflag:$0x6] =	stream.linear.gather [hbm4b:s25+s18], $0x80, $0x38;
	[tilespmem:$0x1CA80] =	vst v63  }
0x46: {  	s4 =	sshll.u32 s11, $0x8;
	s1 =	sadd.s32 s6, s16  }
0x47: {  	[tilespmem:s24], [sflag:$0x8] =	stream.linear.gather [hbm4b:s1+s18], $0x80, $0x38;
	[tilespmem:$0x1CA80] =	vst v63  }
0x48: {  	s5 =	sadd.s32 s7, s4;
	s1 =	simm.s32 $0xA00  }
0x49: {  	[tilespmem:s1], [sflag:$0x4] =	stream.linear.gather [hbm4b:s5+s18], $0x800, $0x38;
	[tilespmem:$0x1CA80] =	vst v63  }
0x4a: {  	_ =	swait.ge [sflag:s26], $0x80  }
0x4b: {  	[sflag:s26] =	ssyncset.done $0x0  }
0x4c: {  	[sflag:s26] =	ssyncadd.s32 $0xFFFFFF80  }
0x4d: {  	s10 =	rddreg [dreg:$0x0]  }
0x4e: {  	[tilespmem:s28], [sflag:$0x2] =	stream.indirect.gather [hbm4b:s10+s23], $0x80, s23, s23, $0xb8;
	[tilespmem:$0x1CA80] =	vst v63  }
0x4f: {  	_ =	swait.ge [sflag:s29], $0x4000  }
0x50: {  	[sflag:s29] =	ssyncset.done $0x0  }
0x51: {  	s22 =	simm.s32 $0x1280;
	[sflag:s29] =	ssyncadd.s32 $0xFFFFC000  }
0x52: {  	s11 =	sand.u32 $0x1E00, s18;
	s16 =	simm.s32 $0x10;
	_ =	swait.ge [sflag:s30], $0x800  }
0x53: {  	s25 =	sand.u32 $0x60, s18;
	s5 =	sshrl.u32 s11, $0x2;
	[sflag:s30] =	ssyncset.done $0x0  }
0x54: {  	s11 =	sand.u32 $0x70, s16;
	s5 =	sadd.s32 $0x200, s5;
	[sflag:s30] =	ssyncadd.s32 $0xFFFFF800  }
0x55: {  	s11 =	sor.u32 s11, s5;
	s5 =	sor.u32 s25, s5;
	v3 =	vld [tilespmem:s22+$0x70]  }
0x56: {  	v2 =	vld [tilespmem:s5+$0x0]  }
0x57: {  	v4 =	vld [tilespmem:s22+$0xFFFFFF80]  }
0x58: {  	v1 =	vld [tilespmem:s11+$0x0]  }
0x59: {  	v5 =	vld [tilespmem:s22+$0xFFFFFF90]  }
0x5a: {  	v6 =	vld [tilespmem:s22+$0xFFFFFFA0]  }
0x5b: {  	v8 =	vld [tilespmem:s22+$0xFFFFFFB0]  }
0x5c: {  	v9 =	vld [tilespmem:s22+$0xFFFFFFC0];
	v4 =	vmul.f32 v4, v2  }
0x5d: {  	v10 =	vld [tilespmem:s22+$0xFFFFFFD0];
	v3 =	vmul.f32 v3, v1  }
0x5e: {  	v11 =	vld [tilespmem:s22+$0xFFFFFFE0];
	[tilespmem:s22+$0xFFFFFF80] =	vst v4;
	v4 =	vmul.f32 v5, v2  }
0x5f: {  	v7 =	vld [tilespmem:s22+$0xFFFFFFF0];
	[tilespmem:s22+$0x70] =	vst v3;
	v3 =	vmul.f32 v6, v2  }
0x60: {  	v6 =	vld [tilespmem:s22+$0x0];
	[tilespmem:s22+$0xFFFFFF90] =	vst v4;
	v4 =	vmul.f32 v8, v2  }
0x61: {  	v5 =	vld [tilespmem:s22+$0x10];
	[tilespmem:s22+$0xFFFFFFA0] =	vst v3;
	v8 =	vmul.f32 v9, v2  }
0x62: {  	s16 =	simm.s32 $0x0;
	v3 =	vld [tilespmem:s22+$0x20];
	v9 =	vmul.f32 v10, v2;
	[tilespmem:s22+$0xFFFFFFB0] =	vst v4  }
0x63: {  	s25 =	simm.s32 $0x0;
	s5 =	simm.s32 $0x80;
	s11 =	simm.s32 $0x1280;
	[tilespmem:s22+$0xFFFFFFC0] =	vst v8;
	v8 =	vmul.f32 v11, v2;
	v4 =	vld [tilespmem:s22+$0x30]  }
.LBB2_7:
0x64: {  	s10 =	sand.u32 $0x1E00, s5;
	s16 =	sadd.s32 $0x2, s16;
	[tilespmem:s22+$0xFFFFFFD0] =	vst v9;
	v2 =	vmul.f32 v7, v2;
	v7 =	vld [tilespmem:s22+$0x40];
	s25 =	sadd.s32 $0x20, s25  }
0x65: {  	s10 =	sshrl.u32 s10, $0x2;
	s4 =	sadd.s32 $0x10, s25;
	p2 =	slt.u32 s16, $0x7E;
	[tilespmem:s22+$0xFFFFFFE0] =	vst v8;
	v6 =	vmul.f32 v6, v1;
	v8 =	vld [tilespmem:s22+$0x50]  }
0x66: {  	s22 =	sadd.s32 $0x100, s22;
	s10 =	sadd.s32 $0x200, s10;
	s4 =	sand.u32 $0x70, s4;
	[tilespmem:s11+$0xFFFFFFF0] =	vst v2;
	v2 =	vmul.f32 v5, v1;
	v5 =	vld [tilespmem:s11+$0x60]  }
0x67: {  	s1 =	sand.u32 $0x60, s25;
	s4 =	sor.u32 s4, s10;
	v9 =	vld [tilespmem:s22+$0x70];
	[tilespmem:s11+$0x0] =	vst v6;
	v3 =	vmul.f32 v3, v1  }
0x68: {  	s1 =	sor.u32 s1, s10;
	v6 =	vld [tilespmem:s4+$0x0];
	[tilespmem:s11+$0x10] =	vst v2;
	v4 =	vmul.f32 v4, v1  }
0x69: {  	v2 =	vld [tilespmem:s1+$0x0];
	[tilespmem:s11+$0x20] =	vst v3;
	v3 =	vmul.f32 v7, v1  }
0x6a: {  	v7 =	vld [tilespmem:s22+$0xFFFFFF80];
	[tilespmem:s11+$0x30] =	vst v4;
	v4 =	vmul.f32 v8, v1  }
0x6b: {  	v8 =	vld [tilespmem:s22+$0xFFFFFF90];
	[tilespmem:s11+$0x40] =	vst v3;
	v10 =	vmul.f32 v5, v1  }
0x6c: {  	v3 =	vld [tilespmem:s22+$0xFFFFFFA0];
	[tilespmem:s11+$0x50] =	vst v4  }
0x6d: {  	v4 =	vld [tilespmem:s22+$0xFFFFFFB0];
	v5 =	vmul.f32 v9, v6;
	[tilespmem:s11+$0x60] =	vst v10;
	v1 =	vmov v6;
	s11 =	smov.u32 s22  }
0x6e: {  	v9 =	vld [tilespmem:s22+$0xFFFFFFC0]  }
0x6f: {  	v6 =	vmul.f32 v7, v2;
	v10 =	vld [tilespmem:s22+$0xFFFFFFD0];
	[tilespmem:s22+$0x70] =	vst v5  }
0x70: {  	v5 =	vmul.f32 v8, v2;
	v8 =	vld [tilespmem:s22+$0xFFFFFFE0]  }
.Ltmp3:
0x71: {  	[tilespmem:s22+$0xFFFFFF80] =	vst v6;
	v3 =	vmul.f32 v3, v2;
	v7 =	vld [tilespmem:s22+$0xFFFFFFF0];
	(pc) =	sbr.rel @p2 .LBB2_7-.Ltmp3, $4  }
0x72: {  	[tilespmem:s22+$0xFFFFFF90] =	vst v5;
	v4 =	vmul.f32 v4, v2;
	v6 =	vld [tilespmem:s22+$0x0]  }
0x73: {  	[tilespmem:s22+$0xFFFFFFA0] =	vst v3;
	v11 =	vmul.f32 v9, v2;
	v5 =	vld [tilespmem:s22+$0x10]  }
0x74: {  	[tilespmem:s22+$0xFFFFFFB0] =	vst v4;
	v9 =	vmul.f32 v10, v2;
	v3 =	vld [tilespmem:s22+$0x20]  }
0x75: {  	s5 =	sadd.s32 $0x80, s5;
	[tilespmem:s22+$0xFFFFFFC0] =	vst v11;
	v8 =	vmul.f32 v8, v2;
	v4 =	vld [tilespmem:s22+$0x30]  }
0x76: {  	[tilespmem:s22+$0xFFFFFFD0] =	vst v9;
	v2 =	vmul.f32 v7, v2;
	v7 =	vld [tilespmem:s22+$0x40]  }
0x77: {  	[tilespmem:s22+$0xFFFFFFE0] =	vst v8;
	v6 =	vmul.f32 v6, v1;
	v8 =	vld [tilespmem:s22+$0x50]  }
0x78: {  	[tilespmem:s11+$0xFFFFFFF0] =	vst v2;
	v2 =	vmul.f32 v5, v1;
	v5 =	vld [tilespmem:s11+$0x60]  }
0x79: {  	[tilespmem:s11+$0x0] =	vst v6;
	v3 =	vmul.f32 v3, v1  }
0x7a: {  	[tilespmem:s11+$0x10] =	vst v2;
	v2 =	vmul.f32 v4, v1  }
0x7b: {  	[tilespmem:s11+$0x20] =	vst v3;
	v3 =	vmul.f32 v7, v1  }
0x7c: {  	[tilespmem:s11+$0x30] =	vst v2;
	v2 =	vmul.f32 v8, v1  }
0x7d: {  	[tilespmem:s11+$0x40] =	vst v3;
	v1 =	vmul.f32 v5, v1  }
0x7e: {  	[tilespmem:s11+$0x50] =	vst v2  }
0x7f: {  	[tilespmem:s11+$0x60] =	vst v1  }
0x80: {  	_ =	swait.ge [sflag:s31], $0x80  }
0x81: {  	p2 =	sne.s32 s9, $0x4D;
	s1 =	stileid.u32;
	[sflag:s31] =	ssyncset.done $0x0  }
0x82: {  	p3 =	sgt.u32 @!p2 s1, $0x3;
	[sflag:s31] =	ssyncadd.s32 $0xFFFFFF80  }
0x83: {  	[spmem:s3] =	stream.indirect.scatter.add.f32 [tilespmem:s19], [sflag:$0x9], $0x80, s21, s23, $0xb8;
	[tilespmem:$0x1CA80] =	vst v63  }
0x84: {  	p2 =	por p2, !p3;
	_ =	swait.ge [sflag:s0], $0x4000  }
0x85: {  	s1 =	rddreg @p2 [dreg:$0xa]  }
0x86: {  	s1 =	sadd.s32 @p2 s1, s17  }
0x87: {  	[sflag:s0] =	ssyncset.done $0x0;
	s4 =	sshll.u32 @p2 s1, $0x4  }
0x88: {  	s10 =	simm.s32 @p2 $0x0;
	[sflag:s0] =	ssyncadd.s32 $0xFFFFC000;
	s5 =	sadd.s32 @p2 s14, s4  }
0x89: {  	[tilespmem:s10], [sflag:$0x5] =	stream.linear.gather @p2 [hbm4b:s5+s10], $0x80, $0x38;
	[tilespmem:$0x1CA80] =	vst v63  }
0x8a: {  	s1 =	sshll.u32 @p2 s1, $0x8;
	s4 =	sadd.s32 @p2 s6, s4  }
0x8b: {  	[tilespmem:s21], [sflag:$0x7] =	stream.linear.gather @p2 [hbm4b:s4+s10], $0x80, $0x38;
	[tilespmem:$0x1CA80] =	vst v63  }
0x8c: {  	s1 =	sadd.s32 @p2 s7, s1;
	s4 =	simm.s32 @p2 $0x200  }
0x8d: {  	[tilespmem:s4], [sflag:$0x3] =	stream.linear.gather @p2 [hbm4b:s1+s10], $0x800, $0x38;
	[tilespmem:$0x1CA80] =	vst v63  }
0x8e: {  	s1 =	simm.s32 @p2 $0x5  }
0x8f: {  	_ =	swait.ge @p2 [sflag:s1], $0x80  }
0x90: {  	[sflag:s1] =	ssyncset.done @p2 $0x0  }
0x91: {  	[sflag:s1] =	ssyncadd.s32 @p2 $0xFFFFFF80  }
0x92: {  	s1 =	rddreg @p2 [dreg:$0x0]  }
0x93: {  	[tilespmem:s19], [sflag:$0x1] =	stream.indirect.gather @p2 [hbm4b:s1+s23], $0x80, s10, s23, $0xb8;
	[tilespmem:$0x1CA80] =	vst v63  }
0x94: {  	_ =	swait.ge [sflag:s12], $0x4000  }
0x95: {  	[sflag:s12] =	ssyncset.done $0x0  }
0x96: {  	s16 =	simm.s32 $0x10;
	s22 =	simm.s32 $0x0;
	[sflag:s12] =	ssyncadd.s32 $0xFFFFC000  }
0x97: {  	s25 =	sand.u32 $0x60, s22;
	s11 =	sand.u32 $0x1E00, s22;
	_ =	swait.ge [sflag:s15], $0x800  }
0x98: {  	s17 =	simm.s32 $0x5280;
	s1 =	sshrl.u32 s11, $0x2;
	[sflag:s15] =	ssyncset.done $0x0  }
0x99: {  	s4 =	sand.u32 $0x70, s16;
	s1 =	sadd.s32 $0xA00, s1;
	[sflag:s15] =	ssyncadd.s32 $0xFFFFF800  }
0x9a: {  	s4 =	sor.u32 s4, s1;
	s1 =	sor.u32 s25, s1;
	v3 =	vld [tilespmem:s17+$0x70]  }
0x9b: {  	v2 =	vld [tilespmem:s1+$0x0]  }
0x9c: {  	v4 =	vld [tilespmem:s17+$0xFFFFFF80]  }
0x9d: {  	v1 =	vld [tilespmem:s4+$0x0]  }
0x9e: {  	v5 =	vld [tilespmem:s17+$0xFFFFFF90]  }
0x9f: {  	v6 =	vld [tilespmem:s17+$0xFFFFFFA0]  }
0xa0: {  	v8 =	vld [tilespmem:s17+$0xFFFFFFB0]  }
0xa1: {  	v9 =	vld [tilespmem:s17+$0xFFFFFFC0];
	v4 =	vmul.f32 v4, v2  }
0xa2: {  	v10 =	vld [tilespmem:s17+$0xFFFFFFD0];
	v3 =	vmul.f32 v3, v1  }
0xa3: {  	v11 =	vld [tilespmem:s17+$0xFFFFFFE0];
	[tilespmem:s17+$0xFFFFFF80] =	vst v4;
	v4 =	vmul.f32 v5, v2  }
0xa4: {  	v7 =	vld [tilespmem:s17+$0xFFFFFFF0];
	[tilespmem:s17+$0x70] =	vst v3;
	v3 =	vmul.f32 v6, v2  }
0xa5: {  	v6 =	vld [tilespmem:s17+$0x0];
	[tilespmem:s17+$0xFFFFFF90] =	vst v4;
	v4 =	vmul.f32 v8, v2  }
0xa6: {  	v5 =	vld [tilespmem:s17+$0x10];
	[tilespmem:s17+$0xFFFFFFA0] =	vst v3;
	v8 =	vmul.f32 v9, v2  }
0xa7: {  	s9 =	sadd.s32 $0x1, s9;
	v3 =	vld [tilespmem:s17+$0x20];
	v9 =	vmul.f32 v10, v2;
	[tilespmem:s17+$0xFFFFFFB0] =	vst v4  }
0xa8: {  	s5 =	simm.s32 $0x80;
	s16 =	simm.s32 $0x0;
	s11 =	simm.s32 $0x5280;
	[tilespmem:s17+$0xFFFFFFC0] =	vst v8;
	v8 =	vmul.f32 v11, v2;
	v4 =	vld [tilespmem:s17+$0x30]  }
.LBB2_9:
0xa9: {  	s1 =	sand.u32 $0x1E00, s5;
	s16 =	sadd.s32 $0x2, s16;
	[tilespmem:s17+$0xFFFFFFD0] =	vst v9;
	v2 =	vmul.f32 v7, v2;
	v7 =	vld [tilespmem:s17+$0x40];
	s22 =	sadd.s32 $0x20, s22  }
0xaa: {  	s1 =	sshrl.u32 s1, $0x2;
	s4 =	sadd.s32 $0x10, s22;
	p2 =	slt.u32 s16, $0x7E;
	[tilespmem:s17+$0xFFFFFFE0] =	vst v8;
	v6 =	vmul.f32 v6, v1;
	v8 =	vld [tilespmem:s17+$0x50]  }
0xab: {  	s17 =	sadd.s32 $0x100, s17;
	s1 =	sadd.s32 $0xA00, s1;
	s4 =	sand.u32 $0x70, s4;
	[tilespmem:s11+$0xFFFFFFF0] =	vst v2;
	v2 =	vmul.f32 v5, v1;
	v5 =	vld [tilespmem:s11+$0x60]  }
0xac: {  	s10 =	sand.u32 $0x60, s22;
	s4 =	sor.u32 s4, s1;
	v9 =	vld [tilespmem:s17+$0x70];
	[tilespmem:s11+$0x0] =	vst v6;
	v3 =	vmul.f32 v3, v1  }
0xad: {  	s1 =	sor.u32 s10, s1;
	v6 =	vld [tilespmem:s4+$0x0];
	[tilespmem:s11+$0x10] =	vst v2;
	v4 =	vmul.f32 v4, v1  }
0xae: {  	v2 =	vld [tilespmem:s1+$0x0];
	[tilespmem:s11+$0x20] =	vst v3;
	v3 =	vmul.f32 v7, v1  }
0xaf: {  	v7 =	vld [tilespmem:s17+$0xFFFFFF80];
	[tilespmem:s11+$0x30] =	vst v4;
	v4 =	vmul.f32 v8, v1  }
0xb0: {  	v8 =	vld [tilespmem:s17+$0xFFFFFF90];
	[tilespmem:s11+$0x40] =	vst v3;
	v10 =	vmul.f32 v5, v1  }
0xb1: {  	v3 =	vld [tilespmem:s17+$0xFFFFFFA0];
	[tilespmem:s11+$0x50] =	vst v4  }
0xb2: {  	v4 =	vld [tilespmem:s17+$0xFFFFFFB0];
	v5 =	vmul.f32 v9, v6;
	[tilespmem:s11+$0x60] =	vst v10;
	v1 =	vmov v6;
	s11 =	smov.u32 s17  }
0xb3: {  	v9 =	vld [tilespmem:s17+$0xFFFFFFC0]  }
0xb4: {  	v6 =	vmul.f32 v7, v2;
	v10 =	vld [tilespmem:s17+$0xFFFFFFD0];
	[tilespmem:s17+$0x70] =	vst v5  }
0xb5: {  	v5 =	vmul.f32 v8, v2;
	v8 =	vld [tilespmem:s17+$0xFFFFFFE0]  }
.Ltmp4:
0xb6: {  	[tilespmem:s17+$0xFFFFFF80] =	vst v6;
	v3 =	vmul.f32 v3, v2;
	v7 =	vld [tilespmem:s17+$0xFFFFFFF0];
	(pc) =	sbr.rel @p2 .LBB2_9-.Ltmp4, $4  }
0xb7: {  	[tilespmem:s17+$0xFFFFFF90] =	vst v5;
	v4 =	vmul.f32 v4, v2;
	v6 =	vld [tilespmem:s17+$0x0]  }
0xb8: {  	[tilespmem:s17+$0xFFFFFFA0] =	vst v3;
	v11 =	vmul.f32 v9, v2;
	v5 =	vld [tilespmem:s17+$0x10]  }
0xb9: {  	[tilespmem:s17+$0xFFFFFFB0] =	vst v4;
	v9 =	vmul.f32 v10, v2;
	v3 =	vld [tilespmem:s17+$0x20]  }
0xba: {  	s5 =	sadd.s32 $0x80, s5;
	[tilespmem:s17+$0xFFFFFFC0] =	vst v11;
	v8 =	vmul.f32 v8, v2;
	v4 =	vld [tilespmem:s17+$0x30]  }
0xbb: {  	[tilespmem:s17+$0xFFFFFFD0] =	vst v9;
	v2 =	vmul.f32 v7, v2;
	v61 =	vld [tilespmem:s17+$0x40]  }
0xbc: {  	v62 =	vld [tilespmem:s17+$0x50];
	[tilespmem:s17+$0xFFFFFFE0] =	vst v8;
	v6 =	vmul.f32 v6, v1  }
0xbd: {  	v63 =	vld [tilespmem:s11+$0x60];
	[tilespmem:s11+$0xFFFFFFF0] =	vst v2;
	v2 =	vmul.f32 v5, v1  }
0xbe: {  	[tilespmem:s11+$0x0] =	vst v6;
	v3 =	vmul.f32 v3, v1  }
0xbf: {  	[tilespmem:s11+$0x10] =	vst v2;
	v2 =	vmul.f32 v4, v1  }
0xc0: {  	[tilespmem:s11+$0x20] =	vst v3;
	v3 =	vmul.f32 v61, v1  }
0xc1: {  	[tilespmem:s11+$0x30] =	vst v2;
	v2 =	vmul.f32 v62, v1  }
0xc2: {  	v1 =	vmul.f32 v63, v1;
	[tilespmem:s11+$0x40] =	vst v3  }
0xc3: {  	p2 =	sne.s32 s9, $0x4E;
	[tilespmem:s11+$0x50] =	vst v2  }
.Ltmp5:
0xc4: {  	[tilespmem:s11+$0x60] =	vst v1;
	(pc) =	sbr.rel @p2 .LBB2_6-.Ltmp5, $4  }
0xc5: {  	_ =	swait.ge [sflag:s13], $0x80  }
0xc6: {  	[sflag:s13] =	ssyncset.done $0x0  }
0xc7: {  	[sflag:s13] =	ssyncadd.s32 $0xFFFFFF80  }
0xc8: {  	[spmem:s3] =	stream.indirect.scatter.add.f32 [tilespmem:s28], [sflag:$0xA], $0x80, s24, s23, $0xb8;
	[tilespmem:$0x1CA80] =	vst v63  }
.Ltmp6:
0xc9: {  	(pc) =	sbr.rel @p1 .LBB2_15-.Ltmp6, $4  }
0xca: {  	s1 =	simm.s32 $0xA  }
0xcb: {  	_ =	swait.ge [sflag:s1], $0x4000  }
0xcc: {  	[sflag:s1] =	ssyncset.done $0x0  }
0xcd: {  	s22 =	rddreg [dreg:$0x5];
	[sflag:s1] =	ssyncadd.s32 $0xFFFFC000  }
0xce: {  	_ =	swait.ge [sflag:s29], $0x4000  }
0xcf: {  	[sflag:s29] =	ssyncset.done $0x0  }
0xd0: {  	s17 =	simm.s32 $0x0;
	s4 =	simm.s32 $0x10;
	[sflag:s29] =	ssyncadd.s32 $0xFFFFC000  }
0xd1: {  	s9 =	simm.s32 $0x1280;
	s1 =	sand.u32 $0x1E00, s17;
	_ =	swait.ge [sflag:s30], $0x800  }
0xd2: {  	s4 =	sand.u32 $0x70, s4;
	s1 =	sshrl.u32 s1, $0x2;
	[sflag:s30] =	ssyncset.done $0x0  }
0xd3: {  	s5 =	sand.u32 $0x60, s17;
	s1 =	sadd.s32 $0x200, s1;
	[sflag:s30] =	ssyncadd.s32 $0xFFFFF800  }
0xd4: {  	s4 =	sor.u32 s4, s1;
	s1 =	sor.u32 s5, s1;
	v3 =	vld [tilespmem:s9+$0x70]  }
0xd5: {  	v2 =	vld [tilespmem:s1+$0x0]  }
0xd6: {  	v4 =	vld [tilespmem:s9+$0xFFFFFF80]  }
0xd7: {  	v1 =	vld [tilespmem:s4+$0x0]  }
0xd8: {  	v5 =	vld [tilespmem:s9+$0xFFFFFF90]  }
0xd9: {  	v6 =	vld [tilespmem:s9+$0xFFFFFFA0]  }
0xda: {  	v8 =	vld [tilespmem:s9+$0xFFFFFFB0]  }
0xdb: {  	v9 =	vld [tilespmem:s9+$0xFFFFFFC0];
	v4 =	vmul.f32 v4, v2  }
0xdc: {  	v10 =	vld [tilespmem:s9+$0xFFFFFFD0];
	v3 =	vmul.f32 v3, v1  }
0xdd: {  	v11 =	vld [tilespmem:s9+$0xFFFFFFE0];
	[tilespmem:s9+$0xFFFFFF80] =	vst v4;
	v4 =	vmul.f32 v5, v2  }
0xde: {  	v7 =	vld [tilespmem:s9+$0xFFFFFFF0];
	[tilespmem:s9+$0x70] =	vst v3;
	v3 =	vmul.f32 v6, v2  }
0xdf: {  	v6 =	vld [tilespmem:s9+$0x0];
	[tilespmem:s9+$0xFFFFFF90] =	vst v4;
	v4 =	vmul.f32 v8, v2  }
0xe0: {  	v5 =	vld [tilespmem:s9+$0x10];
	[tilespmem:s9+$0xFFFFFFA0] =	vst v3;
	v8 =	vmul.f32 v9, v2  }
0xe1: {  	v3 =	vld [tilespmem:s9+$0x20];
	v9 =	vmul.f32 v10, v2;
	[tilespmem:s9+$0xFFFFFFB0] =	vst v4  }
0xe2: {  	s16 =	simm.s32 $0x0;
	s11 =	simm.s32 $0x1280;
	s5 =	simm.s32 $0x80;
	[tilespmem:s9+$0xFFFFFFC0] =	vst v8;
	v8 =	vmul.f32 v11, v2;
	v4 =	vld [tilespmem:s9+$0x30]  }
.LBB2_13:
0xe3: {  	s1 =	sand.u32 $0x1E00, s5;
	s16 =	sadd.s32 $0x2, s16;
	[tilespmem:s9+$0xFFFFFFD0] =	vst v9;
	v2 =	vmul.f32 v7, v2;
	v7 =	vld [tilespmem:s9+$0x40];
	s17 =	sadd.s32 $0x20, s17  }
0xe4: {  	s1 =	sshrl.u32 s1, $0x2;
	s4 =	sadd.s32 $0x10, s17;
	p2 =	slt.u32 s16, $0x7E;
	[tilespmem:s9+$0xFFFFFFE0] =	vst v8;
	v6 =	vmul.f32 v6, v1;
	v8 =	vld [tilespmem:s9+$0x50]  }
0xe5: {  	s9 =	sadd.s32 $0x100, s9;
	s1 =	sadd.s32 $0x200, s1;
	s4 =	sand.u32 $0x70, s4;
	[tilespmem:s11+$0xFFFFFFF0] =	vst v2;
	v2 =	vmul.f32 v5, v1;
	v5 =	vld [tilespmem:s11+$0x60]  }
0xe6: {  	s10 =	sand.u32 $0x60, s17;
	s4 =	sor.u32 s4, s1;
	v9 =	vld [tilespmem:s9+$0x70];
	[tilespmem:s11+$0x0] =	vst v6;
	v3 =	vmul.f32 v3, v1  }
0xe7: {  	s1 =	sor.u32 s10, s1;
	v6 =	vld [tilespmem:s4+$0x0];
	[tilespmem:s11+$0x10] =	vst v2;
	v4 =	vmul.f32 v4, v1  }
0xe8: {  	v2 =	vld [tilespmem:s1+$0x0];
	[tilespmem:s11+$0x20] =	vst v3;
	v3 =	vmul.f32 v7, v1  }
0xe9: {  	v7 =	vld [tilespmem:s9+$0xFFFFFF80];
	[tilespmem:s11+$0x30] =	vst v4;
	v4 =	vmul.f32 v8, v1  }
0xea: {  	v8 =	vld [tilespmem:s9+$0xFFFFFF90];
	[tilespmem:s11+$0x40] =	vst v3;
	v10 =	vmul.f32 v5, v1  }
0xeb: {  	v3 =	vld [tilespmem:s9+$0xFFFFFFA0];
	[tilespmem:s11+$0x50] =	vst v4  }
0xec: {  	v4 =	vld [tilespmem:s9+$0xFFFFFFB0];
	v5 =	vmul.f32 v9, v6;
	[tilespmem:s11+$0x60] =	vst v10;
	v1 =	vmov v6;
	s11 =	smov.u32 s9  }
0xed: {  	v9 =	vld [tilespmem:s9+$0xFFFFFFC0]  }
0xee: {  	v6 =	vmul.f32 v7, v2;
	v10 =	vld [tilespmem:s9+$0xFFFFFFD0];
	[tilespmem:s9+$0x70] =	vst v5  }
0xef: {  	v5 =	vmul.f32 v8, v2;
	v8 =	vld [tilespmem:s9+$0xFFFFFFE0]  }
.Ltmp7:
0xf0: {  	[tilespmem:s9+$0xFFFFFF80] =	vst v6;
	v3 =	vmul.f32 v3, v2;
	v7 =	vld [tilespmem:s9+$0xFFFFFFF0];
	(pc) =	sbr.rel @p2 .LBB2_13-.Ltmp7, $4  }
0xf1: {  	[tilespmem:s9+$0xFFFFFF90] =	vst v5;
	v4 =	vmul.f32 v4, v2;
	v6 =	vld [tilespmem:s9+$0x0]  }
0xf2: {  	[tilespmem:s9+$0xFFFFFFA0] =	vst v3;
	v11 =	vmul.f32 v9, v2;
	v5 =	vld [tilespmem:s9+$0x10]  }
0xf3: {  	[tilespmem:s9+$0xFFFFFFB0] =	vst v4;
	v9 =	vmul.f32 v10, v2;
	v3 =	vld [tilespmem:s9+$0x20]  }
0xf4: {  	s5 =	sadd.s32 $0x80, s5;
	[tilespmem:s9+$0xFFFFFFC0] =	vst v11;
	v8 =	vmul.f32 v8, v2;
	v4 =	vld [tilespmem:s9+$0x30]  }
0xf5: {  	[tilespmem:s9+$0xFFFFFFD0] =	vst v9;
	v2 =	vmul.f32 v7, v2;
	v61 =	vld [tilespmem:s9+$0x40]  }
0xf6: {  	v62 =	vld [tilespmem:s9+$0x50];
	[tilespmem:s9+$0xFFFFFFE0] =	vst v8;
	v6 =	vmul.f32 v6, v1  }
0xf7: {  	v63 =	vld [tilespmem:s11+$0x60];
	[tilespmem:s11+$0xFFFFFFF0] =	vst v2;
	v2 =	vmul.f32 v5, v1  }
0xf8: {  	[tilespmem:s11+$0x0] =	vst v6;
	v3 =	vmul.f32 v3, v1  }
0xf9: {  	[tilespmem:s11+$0x10] =	vst v2;
	v2 =	vmul.f32 v4, v1  }
0xfa: {  	[tilespmem:s11+$0x20] =	vst v3;
	v3 =	vmul.f32 v61, v1  }
0xfb: {  	[tilespmem:s11+$0x30] =	vst v2;
	v2 =	vmul.f32 v62, v1  }
0xfc: {  	v1 =	vmul.f32 v63, v1;
	[tilespmem:s11+$0x40] =	vst v3  }
0xfd: {  	[tilespmem:s11+$0x50] =	vst v2  }
0xfe: {  	[tilespmem:s11+$0x60] =	vst v1  }
0xff: {  	_ =	swait.ge [sflag:s31], $0x80  }
0x100: {  	[sflag:s31] =	ssyncset.done $0x0  }
0x101: {  	[sflag:s31] =	ssyncadd.s32 $0xFFFFFF80  }
0x102: {  	[spmem:s3] =	stream.indirect.scatter.add.f32 [tilespmem:s19], [sflag:$0x9], $0x80, s21, s23, $0xb8;
	[tilespmem:$0x1CA80] =	vst v63  }
0x103: {  	_ =	swait.ge [sflag:s0], $0x4000  }
0x104: {  	[sflag:s0] =	ssyncset.done $0x0  }
0x105: {  	[sflag:s0] =	ssyncadd.s32 $0xFFFFC000  }
.LBB2_15:
0x106: {  	s16 =	sadd.s32 $0xFFFFFFFF, s22  }
0x107: {  	p3 =	sne.s32 s16, $0x0  }
.Ltmp8:
0x108: {  	_ = 	snop;
	(pc) =	sbr.rel @!p3 .LBB2_16-.Ltmp8, $3  }
0x109: {  	_ =	sdelay $0x1  }
0x10a: {  	[bflag:$0x0] =	sbarrier.arrive $0xFFFF;
	s1 =	stileid.u32  }
0x10b: {  	s5 =	simm.s32 @!p0 $0xC;
	p2 =	por $0x0, $0x0;
	s9 =	sshll.u32 s1, $0x6  }
0x10c: {  	s11 =	simm.s32 @!p0 $0xC;
	s18 =	sadd.s32 $0xFFFFFFFF, s16  }
0x10d: {  	s25 =	rddreg [dreg:$0xc];
	s11 =	simm.s32 @p0 $0xB;
	p3 =	sne.s32 s18, $0x0  }
.Ltmp9:
0x10e: {  	s17 =	rddreg [dreg:$0xb];
	s1 =	sadd.s32 s11, s9;
	(pc) =	sbr.rel @!p3 .LBB2_18-.Ltmp9, $4  }
0x10f: {  	s4 =	sadd.s32 s25, s2;
	s10 =	sshrl.u32 s17, $0x3;
	s1 =	sadd.s32 $0x1C00, s1  }
0x110: {  	[hbm:s4], [sflag:s1] =	dma.local [spmem:s10], $0x500  }
0x111: {  	p2 =	por $0x1, $0x1;
	_ =	swait.ge [sflag:s11], $0x500  }
0x112: {  	s16 =	sadd.s32 $0x500, s25;
	s17 =	sadd.s32 $0x2800, s17;
	[sflag:s11] =	ssyncset.done $0x0  }
.LBB2_19:
0x113: {  	[sflag:s11] =	ssyncadd.s32 $0xFFFFFB00;
	s11 =	smov.u32 s5;
	s18 =	sadd.s32 $0xFFFFFFFF, s18  }
0x114: {  	s1 =	smov.u32 s9;
	s11 =	simm.s32 @p0 $0xB;
	p3 =	sne.s32 s18, $0x0  }
.Ltmp10:
0x115: {  	s1 =	sadd.s32 s11, s1;
	(pc) =	sbr.rel @p3 .LBB2_19-.Ltmp10, $4  }
0x116: {  	s4 =	sadd.s32 s16, s2;
	s10 =	sshrl.u32 s17, $0x3;
	s1 =	sadd.s32 $0x1C00, s1  }
0x117: {  	[hbm:s4], [sflag:s1] =	dma.local [spmem:s10], $0x500  }
0x118: {  	s16 =	sadd.s32 $0x500, s16;
	_ =	swait.ge [sflag:s11], $0x500  }
0x119: {  	s17 =	sadd.s32 $0x2800, s17;
	[sflag:s11] =	ssyncset.done $0x0  }
0x11a: {  	s10 =	rddreg [dreg:$0xd]  }
.LBB2_21:
0x11b: {  	s5 =	simm.s32 @p0 $0xB  }
0x11c: {  	[sflag:s11] =	ssyncadd.s32 @p2 $0xFFFFFB00;
	s1 =	sadd.s32 s5, s9  }
0x11d: {  	s4 =	sadd.s32 s16, s2;
	s18 =	sshrl.u32 s17, $0x3;
	s1 =	sadd.s32 $0x1C00, s1  }
0x11e: {  	[hbm:s4], [sflag:s1] =	dma.local [spmem:s18], $0x500  }
0x11f: {  	_ =	swait.ge [sflag:s5], $0x500  }
0x120: {  	s10 =	sadd.s32 $0x1, s10;
	s25 =	rddreg [dreg:$0x9]  }
0x121: {  	p2 =	sne.s32 s10, s25  }
.Ltmp11:
0x122: {  	_ = 	snop;
	(pc) =	sbr.rel @p2 .LBB2_1-.Ltmp11, $4  }
.Ltmp12:
0x123: {  	_ = 	snop;
	(pc) =	sbr.rel @!p2 .LBB2_22-.Ltmp12, $4  }
0x124: {  	_ = 	snop  }
0x125: {  	[sflag:s5] =	ssyncset.done $0x0  }
0x126: {  	s1 =	smov.u32 s10;
	[sflag:s5] =	ssyncadd.s32 $0xFFFFFB00  }
0x127: {  	_ = 	snop  }
.LBB2_16:
.Ltmp13:
0x128: {  	(pc) =	sbr.rel .LBB2_21-.Ltmp13, $4  }
0x129: {  	_ = 	snop  }
0x12a: {  	s16 =	rddreg [dreg:$0xc]  }
0x12b: {  	s17 =	rddreg [dreg:$0xb]  }
0x12c: {  	s10 =	rddreg [dreg:$0xd]  }
.LBB2_18:
.Ltmp14:
0x12d: {  	(pc) =	sbr.rel .LBB2_21-.Ltmp14, $2  }
0x12e: {  	_ =	sdelay $0x2  }
0x12f: {  	s10 =	rddreg [dreg:$0xd]  }
.LBB2_22:
0x130: {  	_ =	sfence.sel $0x180000  }
0x131: {  	[bflag:$0x0] =	sbarrier.arrive $0xFFFF  }
0x132: {  	_ =	strace $0x90000047  }
0x133: {  	s0 =	stileid.u32;
	[bflag:$0x2] =	sbarrier.arrive $0xFFFF  }
0x134: {  	p0 =	sne.s32 s0, $0x0;
	s0 =	rddreg [dreg:$0x4]  }
0x135: {  	s0 =	sadd.s32 @!p0 $0x100000, s0  }
0x136: {  	[sflag:s0] =	ssyncadd.tile.s32 @!p0 $0x1;
	_ =	shalt  }
.Lfunc_end2:
_tile_overlayer_lowered:
.L_overlay_start_2:
0x137: {  	(tag) =	ssettag $0x2  }
0x138: {  	s0 =	rddreg [dreg:$0x0];
	s2 =	stileid.u32  }
0x139: {  	s1 =	rddreg [dreg:$0x1];
	p0 =	sne.s32 s2, $0x0  }
0x13a: {  	s3 =	rddreg [dreg:$0x2];
	[bflag:$0x3] =	sbarrier.arrive $0xFFFF;
	s2 =	simm.s32 @!p0 $0x1C0B  }
0x13b: {  	[timem:s3], [sflag:s2] =	dma.local @!p0 [hbm:s0], s1  }
0x13c: {  	s0 =	simm.s32 @!p0 $0xB  }
0x13d: {  	_ =	swait.ge @!p0 [sflag:s0], s1  }
0x13e: {  	s1 =	ssub.s32 @!p0 $0x0, s1;
	[sflag:s0] =	ssyncset.done @!p0 $0x0  }
0x13f: {  	[sflag:s0] =	ssyncadd.s32 @!p0 s1  }
0x140: {  	[bflag:$0x3] =	sbarrier.arrive $0xFFFF  }
0x141: {  	_ =	shalt  }

</sc_bundles>
